<compile_context>
chip_gen: v7x
topology: tpu7x:2x2x1
jax: 0.10.2.dev20260603
libtpu: 0.0.44.dev20260713+nightly
codegen_flags: <defaults>
</compile_context>

<pallas_src>
import functools

import jax
import jax.numpy as jnp
from jax import lax
from jax.experimental import pallas as pl
from jax.experimental.pallas import tpu as pltpu
from jax.experimental.pallas import tpu_sc as plsc

_N = 10000
_E = 320000
_D = 128
_EC = 32
_H = 128
_OUT = 81

_NC = 2
_NS = 16
_NW = _NC * _NS
_CH = 80
_NP = 10240
_RPT = _NP // _NS


def _sc_mesh():
    return plsc.VectorSubcoreMesh(
        core_axis_name="c", subcore_axis_name="s",
        num_cores=_NC, num_subcores=_NS)


_EH0 = 161280
_EH1 = _E - _EH0


def _gather(env, src, dst, eh):
    epw = eh // _NW

    @functools.partial(
        pl.kernel,
        out_type=[jax.ShapeDtypeStruct((eh, _D), jnp.float32),
                  jax.ShapeDtypeStruct((eh, _D), jnp.float32)],
        mesh=_sc_mesh(),
        scratch_types=[pltpu.VMEM((_CH,), jnp.int32),
                       pltpu.VMEM((_CH,), jnp.int32),
                       pltpu.VMEM((_CH, _D), jnp.float32),
                       pltpu.VMEM((_CH, _D), jnp.float32),
                       pltpu.SemaphoreType.DMA,
                       pltpu.SemaphoreType.DMA],
    )
    def k(env_h, src_h, dst_h, sf_h, df_h, idx_s, idx_d, buf_s, buf_d,
          sem_s, sem_d):
        wid = lax.axis_index("s") * _NC + lax.axis_index("c")
        base = wid * epw

        def body(j, carry):
            off = pl.multiple_of(base + j * _CH, 8)
            pltpu.sync_copy(src_h.at[pl.ds(off, _CH)], idx_s)
            pltpu.sync_copy(dst_h.at[pl.ds(off, _CH)], idx_d)
            cs = pltpu.async_copy(env_h.at[idx_s], buf_s, sem_s)
            cd = pltpu.async_copy(env_h.at[idx_d], buf_d, sem_d)
            cs.wait()
            cd.wait()
            pltpu.sync_copy(buf_s, sf_h.at[pl.ds(off, _CH)])
            pltpu.sync_copy(buf_d, df_h.at[pl.ds(off, _CH)])
            return carry

        lax.fori_loop(0, epw // _CH, body, 0)

    return k(env, src, dst)


def _scatter(m0, m1, dst, z128):
    @functools.partial(
        pl.kernel,
        out_type=[jax.ShapeDtypeStruct((_NC * _NP, _D), jnp.float32),
                  jax.ShapeDtypeStruct((_NW, _NP), jnp.float32)],
        mesh=_sc_mesh(),
        compiler_params=pltpu.CompilerParams(needs_layout_passes=False),
        scratch_types=[pltpu.VMEM((_CH,), jnp.int32),
                       pltpu.VMEM((_CH, _D), jnp.float32),
                       pltpu.VMEM((_NP,), jnp.float32),
                       pltpu.VMEM_SHARED((_NP, _D), jnp.float32)],
    )
    def k(m0_h, m1_h, dst_h, z128_h, acc_out, deg_out,
          idx_v, row_v, deg_v, acc_s):
        cid = lax.axis_index("c")
        sid = lax.axis_index("s")
        wid = sid * _NC + cid
        r0 = sid * _RPT
        nz = _RPT // _CH

        pltpu.sync_copy(z128_h, row_v)

        def zbody(t, carry):
            rr = pl.multiple_of(r0 + t * _CH, 8)
            pltpu.sync_copy(row_v, acc_s.at[pl.ds(rr, _CH)])
            return carry

        lax.fori_loop(0, nz, zbody, 0)

        zv = jnp.zeros((16,), jnp.float32)

        def dzbody(t, carry):
            deg_v[pl.ds(t * 16, 16)] = zv
            return carry

        lax.fori_loop(0, _NP // 16, dzbody, 0)
        plsc.subcore_barrier()

        half = wid // 16
        onev = jnp.ones((16,), jnp.float32)

        def make_body(m_h, lbase, gbase):
            def body(j, carry):
                loff = pl.multiple_of(lbase + j * _CH, 8)
                goff = pl.multiple_of(gbase + j * _CH, 8)
                pltpu.sync_copy(dst_h.at[pl.ds(goff, _CH)], idx_v)
                pltpu.sync_copy(m_h.at[pl.ds(loff, _CH)], row_v)
                pltpu.sync_copy(row_v, acc_s.at[idx_v], add=True)
                for i in range(_CH // 16):
                    idx16 = idx_v[pl.ds(i * 16, 16)]
                    plsc.addupdate_scatter(deg_v, [idx16], onev)
                return carry
            return body

        epw0 = _EH0 // 16
        epw1 = _EH1 // 16

        @pl.when(half == 0)
        def _():
            lb = (wid % 16) * epw0
            lax.fori_loop(0, epw0 // _CH, make_body(m0_h, lb, lb), 0)

        @pl.when(half == 1)
        def _():
            lb = (wid % 16) * epw1
            lax.fori_loop(0, epw1 // _CH, make_body(m1_h, lb, _EH0 + lb), 0)

        plsc.subcore_barrier()

        pltpu.sync_copy(deg_v, deg_out.at[wid])

        def obody(t, carry):
            rr = pl.multiple_of(r0 + t * _CH, 8)
            oo = pl.multiple_of(cid * _NP + r0 + t * _CH, 8)
            pltpu.sync_copy(acc_s.at[pl.ds(rr, _CH)], row_v)
            pltpu.sync_copy(row_v, acc_out.at[pl.ds(oo, _CH)])
            return carry

        lax.fori_loop(0, nz, obody, 0)

    return k(m0, m1, dst, z128)


def _silu(x):
    return x * jax.nn.sigmoid(x)


def _edge_mlp(sf, df, er, ea, ws, eh, be):
    (W1s, W1d, W1r, W1a, b1, W2, b2, W3, b3,
     nW1d, nW1e_r, nW1e_a, nW1e, nb1, nW2, nb2) = ws
    _BE = be

    def body(sf_r, df_r, er_r, ea_r,
             W1s_r, W1d_r, W1r_r, W1a_r, b1_r, W2_r, b2_r, W3_r, b3_r,
             nW1d_r, nW1er_r, nW1ea_r, nW1e_r2, nb1_r, nW2_r, nb2_r, m_r):
        bf = jnp.bfloat16
        s = sf_r[...].astype(bf)
        d = df_r[...].astype(bf)
        r = er_r[...].astype(bf)
        a = ea_r[...].astype(bf)
        dot = functools.partial(jnp.dot, preferred_element_type=jnp.float32)
        h = _silu(dot(s, W1s_r[...]) + dot(d, W1d_r[...])
                  + dot(r, W1r_r[...]) + dot(a, W1a_r[...]) + b1_r[...])
        h = _silu(dot(h.astype(bf), W2_r[...]) + b2_r[...])
        efu = dot(h.astype(bf), W3_r[...]) + b3_r[...]
        pre = (dot(d, nW1d_r[...]) + dot(efu.astype(bf), nW1e_r2[...])
               + dot(r, nW1er_r[...]) + dot(a, nW1ea_r[...]) + nb1_r[...])
        m_r[...] = dot(_silu(pre).astype(bf), nW2_r[...]) + nb2_r[...]

    grid = eh // _BE
    eb = lambda w: pl.BlockSpec((_BE, w), lambda i: (i, 0))
    cb = lambda s: pl.BlockSpec(s, lambda i: (0,) * len(s))
    return pl.pallas_call(
        body,
        grid=(grid,),
        in_specs=[eb(_D), eb(_D), eb(16), eb(16),
                  cb((_D, _H)), cb((_D, _H)), cb((16, _H)), cb((16, _H)),
                  cb((1, _H)), cb((_H, _H)), cb((1, _H)), cb((_H, _EC)),
                  cb((1, _EC)),
                  cb((_D, _H)), cb((16, _H)), cb((16, _H)), cb((_EC, _H)),
                  cb((1, _H)), cb((_H, _H)), cb((1, _H))],
        out_specs=eb(_D),
        out_shape=jax.ShapeDtypeStruct((eh, _D), jnp.float32),
    )(sf, df, er, ea,
      W1s, W1d, W1r, W1a, b1, W2, b2, W3, b3,
      nW1d, nW1e_r, nW1e_a, nW1e, nb1, nW2, nb2)


_BN = 1000


def _heads(acc0, acc1, dgp, env, xa, ws):
    (h0W1, h0b1, h0W2, h0b2, h0W3, h0b3,
     h1W1, h1b1, h1W2, h1b2, h1W3, h1b3) = ws

    def body(a0_r, a1_r, dgp_r, env_r, xa_r,
             w01_r, b01_r, w02_r, b02_r, w03_r, b03_r,
             w11_r, b11_r, w12_r, b12_r, w13_r, b13_r, out_r):
        bf = jnp.bfloat16
        dot = functools.partial(jnp.dot, preferred_element_type=jnp.float32)
        deg = jnp.maximum(jnp.sum(dgp_r[...], axis=1), 1.0)[:, None]
        x = ((a0_r[...] + a1_r[...]) / deg + env_r[...]).astype(bf)
        t0 = _silu(dot(x, w01_r[...]) + b01_r[...]).astype(bf)
        t0 = _silu(dot(t0, w02_r[...]) + b02_r[...]).astype(bf)
        o0 = dot(t0, w03_r[...]) + b03_r[...]
        t1 = _silu(dot(x, w11_r[...]) + b11_r[...]).astype(bf)
        t1 = _silu(dot(t1, w12_r[...]) + b12_r[...]).astype(bf)
        o1 = dot(t1, w13_r[...]) + b13_r[...]
        out_r[...] = jnp.where(xa_r[...] == 0, o0, o1)

    grid = _N // _BN
    nb = lambda w: pl.BlockSpec((_BN, w), lambda i: (i, 0))
    cb = lambda s: pl.BlockSpec(s, lambda i: (0,) * len(s))
    return pl.pallas_call(
        body,
        grid=(grid,),
        in_specs=[nb(_D), nb(_D), nb(_NW),
                  nb(_D), nb(1),
                  cb((_D, _H)), cb((1, _H)), cb((_H, _H)), cb((1, _H)),
                  cb((_H, _OUT)), cb((1, _OUT)),
                  cb((_D, _H)), cb((1, _H)), cb((_H, _H)), cb((1, _H)),
                  cb((_H, _OUT)), cb((1, _OUT))],
        out_specs=nb(_OUT),
        out_shape=jax.ShapeDtypeStruct((_N, _OUT), jnp.float32),
    )(acc0, acc1, dgp, env, xa,
      h0W1, h0b1, h0W2, h0b2, h0W3, h0b3,
      h1W1, h1b1, h1W2, h1b2, h1W3, h1b3)


def kernel(node_env, edge_radial, edge_angular, edge_index, x_atom,
           nu_W1, nu_b1, nu_W2, nu_b2,
           eu_W1, eu_b1, eu_W2, eu_b2, eu_W3, eu_b3,
           h0_W1, h0_b1, h0_W2, h0_b2, h0_W3, h0_b3,
           h1_W1, h1_b1, h1_W2, h1_b2, h1_W3, h1_b3):
    src = edge_index[0]
    dst = edge_index[1]
    bf = jnp.bfloat16

    edge_ws = (eu_W1[:_D].astype(bf), eu_W1[_D:2 * _D].astype(bf),
               eu_W1[2 * _D:2 * _D + 16].astype(bf),
               eu_W1[2 * _D + 16:].astype(bf), eu_b1.reshape(1, _H),
               eu_W2.astype(bf), eu_b2.reshape(1, _H),
               eu_W3.astype(bf), eu_b3.reshape(1, _EC),
               nu_W1[:_D].astype(bf), nu_W1[_D:_D + 16].astype(bf),
               nu_W1[_D + 16:].astype(bf), nu_W1[_D:].astype(bf),
               nu_b1.reshape(1, _H), nu_W2.astype(bf), nu_b2.reshape(1, _H))

    sf0, df0 = _gather(node_env, src[:_EH0], dst[:_EH0], _EH0)
    sf1, df1 = _gather(node_env, src[_EH0:], dst[_EH0:], _EH1)
    m0 = _edge_mlp(sf0, df0, edge_radial[:_EH0], edge_angular[:_EH0],
                   edge_ws, _EH0, 4032)
    m1 = _edge_mlp(sf1, df1, edge_radial[_EH0:], edge_angular[_EH0:],
                   edge_ws, _EH1, 3968)

    z128 = jnp.zeros((_CH, _D), jnp.float32)
    acc2, degp = _scatter(m0, m1, dst, z128)

    head_ws = (h0_W1.astype(bf), h0_b1.reshape(1, _H),
               h0_W2.astype(bf), h0_b2.reshape(1, _H),
               h0_W3.astype(bf), h0_b3.reshape(1, _OUT),
               h1_W1.astype(bf), h1_b1.reshape(1, _H),
               h1_W2.astype(bf), h1_b2.reshape(1, _H),
               h1_W3.astype(bf), h1_b3.reshape(1, _OUT))
    out = _heads(acc2[:_NP], acc2[_NP:], degp.T,
                 node_env, x_atom.reshape(_N, 1), head_ws)
    return out.reshape(_N, 9, 9)

# --- scband reference (transcript-rebuilt; emitter-appended) ---
"""Pipeline reference for scband-node-extraction-basic-48284022341970 (READ-ONLY COPY).

The authoritative reference and input builder live on the scoring server;
editing this copy changes nothing except your own understanding.
"""

import jax, jax.numpy as jnp
import numpy as np

N = 10000
E = 320000
D = 128
RD = 16
AD = 16
EC = RD + AD
H = 128
O = 9
OUT = O * O


def silu(x):
    return x * jax.nn.sigmoid(x)


def setup_inputs(seed: int = 0) -> dict:
    key = jax.random.key(seed)
    ks = jax.random.split(key, 40)

    def w(k, shape):
        fan_in = shape[0]
        return (jax.random.uniform(k, shape, dtype=jnp.float32) * 2.0 - 1.0) / np.sqrt(fan_in)

    inp = {}
    inp["node_env"] = jax.random.normal(ks[0], (N, D), dtype=jnp.float32)
    inp["edge_radial"] = jax.random.normal(ks[1], (E, RD), dtype=jnp.float32)
    inp["edge_angular"] = jax.random.normal(ks[2], (E, AD), dtype=jnp.float32)
    inp["edge_index"] = jax.random.randint(ks[3], (2, E), 0, N, dtype=jnp.int32)
    inp["x_atom"] = jax.random.randint(ks[4], (N,), 0, 2, dtype=jnp.int32)
    # MessagePassing node_update: Linear(D+EC, H), SiLU, Linear(H, D)
    inp["nu_W1"] = w(ks[5], (D + EC, H)); inp["nu_b1"] = jnp.zeros((H,), jnp.float32)
    inp["nu_W2"] = w(ks[6], (H, D)); inp["nu_b2"] = jnp.zeros((D,), jnp.float32)
    # MessagePassing edge_update: Linear(EC+2D, H), SiLU, Linear(H, H), SiLU, Linear(H, EC)
    inp["eu_W1"] = w(ks[7], (EC + 2 * D, H)); inp["eu_b1"] = jnp.zeros((H,), jnp.float32)
    inp["eu_W2"] = w(ks[8], (H, H)); inp["eu_b2"] = jnp.zeros((H,), jnp.float32)
    inp["eu_W3"] = w(ks[9], (H, EC)); inp["eu_b3"] = jnp.zeros((EC,), jnp.float32)
    # Extraction heads (atom types 0 and 1): Linear(D,H), SiLU, Linear(H,H), SiLU, Linear(H, OUT)
    inp["h0_W1"] = w(ks[10], (D, H)); inp["h0_b1"] = jnp.zeros((H,), jnp.float32)
    inp["h0_W2"] = w(ks[11], (H, H)); inp["h0_b2"] = jnp.zeros((H,), jnp.float32)
    inp["h0_W3"] = w(ks[12], (H, OUT)); inp["h0_b3"] = jnp.zeros((OUT,), jnp.float32)
    inp["h1_W1"] = w(ks[13], (D, H)); inp["h1_b1"] = jnp.zeros((H,), jnp.float32)
    inp["h1_W2"] = w(ks[14], (H, H)); inp["h1_b2"] = jnp.zeros((H,), jnp.float32)
    inp["h1_W3"] = w(ks[15], (H, OUT)); inp["h1_b3"] = jnp.zeros((OUT,), jnp.float32)
    return inp


def reference(node_env, edge_radial, edge_angular, edge_index, x_atom,
              nu_W1, nu_b1, nu_W2, nu_b2,
              eu_W1, eu_b1, eu_W2, eu_b2, eu_W3, eu_b3,
              h0_W1, h0_b1, h0_W2, h0_b2, h0_W3, h0_b3,
              h1_W1, h1_b1, h1_W2, h1_b2, h1_W3, h1_b3):
    num_nodes = node_env.shape[0]
    edge_features = jnp.concatenate([edge_radial, edge_angular], axis=-1)
    src = edge_index[0]
    dst = edge_index[1]
    src_f = jnp.take(node_env, src, axis=0)
    dst_f = jnp.take(node_env, dst, axis=0)
    edge_inputs = jnp.concatenate([src_f, dst_f, edge_features], axis=-1)
    h = silu(edge_inputs @ eu_W1 + eu_b1)
    h = silu(h @ eu_W2 + eu_b2)
    edge_features_updated = h @ eu_W3 + eu_b3 + edge_features
    # per-edge node update message: cat(node_features[dst], edge_features_updated)
    msg = jnp.concatenate([dst_f, edge_features_updated], axis=-1)
    m = silu(msg @ nu_W1 + nu_b1)
    m = m @ nu_W2 + nu_b2
    agg = jax.ops.segment_sum(m, dst, num_segments=num_nodes)
    in_deg = jax.ops.segment_sum(jnp.ones((dst.shape[0],), jnp.float32), dst, num_segments=num_nodes)
    in_deg = jnp.clip(in_deg, 1.0)
    node_out = agg / in_deg[:, None] + node_env

    def head(x, W1, b1, W2, b2, W3, b3):
        t = silu(x @ W1 + b1)
        t = silu(t @ W2 + b2)
        return t @ W3 + b3

    o0 = head(node_out, h0_W1, h0_b1, h0_W2, h0_b2, h0_W3, h0_b3)
    o1 = head(node_out, h1_W1, h1_b1, h1_W2, h1_b2, h1_W3, h1_b3)
    sel = jnp.where((x_atom == 0)[:, None], o0, o1)
    return sel.reshape(num_nodes, O, O)

if __name__ == "__main__":
    import jax
    _d = setup_inputs()
    print(jax.jit(kernel)(*tuple(_d.values())))

</pallas_src>

<mosaic_0001>
#map = affine_map<(d0, d1) -> (0, 0)>
#map1 = affine_map<(d0, d1) -> (0)>
module attributes {stable_mosaic.version = 14 : i64} {
  func.func @k(%arg0: i32, %arg1: i32, %arg2: memref<10000x128xf32, #tpu.memory_space<hbm>>, %arg3: memref<161280xi32, #tpu.memory_space<hbm>>, %arg4: memref<161280xi32, #tpu.memory_space<hbm>>, %arg5: memref<161280x128xf32, #tpu.memory_space<hbm>>, %arg6: memref<161280x128xf32, #tpu.memory_space<hbm>>, %arg7: memref<80xi32, #tpu.memory_space<vmem>>, %arg8: memref<80xi32, #tpu.memory_space<vmem>>, %arg9: memref<80x128xf32, #tpu.memory_space<vmem>>, %arg10: memref<80x128xf32, #tpu.memory_space<vmem>>, %arg11: memref<!tpu.dma_semaphore, #tpu.memory_space<semaphore_mem>>, %arg12: memref<!tpu.dma_semaphore, #tpu.memory_space<semaphore_mem>>) attributes {dimension_semantics = [#tpu.dimension_semantics<core_parallel>, #tpu.dimension_semantics<subcore_parallel>], iteration_bounds = array<i64: 2, 16>, scalar_prefetch = 0 : i64, scratch_operands = 6 : i64, tpu.core_type = #tpu.core_type<sc_vector_subcore>, window_params = [{transform_indices = #map}, {transform_indices = #map1}, {transform_indices = #map1}, {transform_indices = #map}, {transform_indices = #map}]} {
    %mul3A = arith.constant 2 : i32
    %mul3A_0 = arith.muli %arg1, %mul3A : i32
    %add3A = arith.addi %mul3A_0, %arg0 : i32
    %mul3A_1 = arith.constant 5040 : i32
    %mul3A_2 = arith.muli %add3A, %mul3A_1 : i32
    %scan3A = arith.constant 0 : i32
    %scan3A_3 = arith.constant 0 : i32
    %scan3A_4 = arith.constant 63 : i32
    %scan3A_5 = arith.addi %scan3A_3, %scan3A_4 : i32
    %scan3A_6 = arith.constant 1 : i32
    scf.for %scan3A_8 = %scan3A_3 to %scan3A_5 step %scan3A_6  : i32 {
      %mul3A_9 = arith.constant 80 : i32
      %mul3A_10 = arith.muli %scan3A_8, %mul3A_9 : i32
      %add3A_11 = arith.addi %mul3A_2, %mul3A_10 : i32
      %multiple_of3A = tpu.assume_multiple %add3A_11, 8 : i32
      "tpu.region"() ({
        %run_scoped3A = tpu.sem_alloc : memref<!tpu.dma_semaphore, #tpu.memory_space<semaphore_mem>>
        %dma_start3A_22 = tpu.memref_slice %arg3[%multiple_of3A] : memref<161280xi32, #tpu.memory_space<hbm>> -> memref<80xi32, #tpu.memory_space<hbm>>
        %dma_start3A_23 = tpu.memref_slice %arg3[%multiple_of3A] : memref<161280xi32, #tpu.memory_space<hbm>> -> memref<80xi32, #tpu.memory_space<hbm>>
        tpu.enqueue_dma source(%dma_start3A_23 : memref<80xi32, #tpu.memory_space<hbm>>) target(%arg7 : memref<80xi32, #tpu.memory_space<vmem>>) target_semaphore(%run_scoped3A : memref<!tpu.dma_semaphore, #tpu.memory_space<semaphore_mem>>)
        %dma_wait3A_24 = tpu.memref_slice %arg3[%multiple_of3A] : memref<161280xi32, #tpu.memory_space<hbm>> -> memref<80xi32, #tpu.memory_space<hbm>>
        %dma_wait3A_25 = tpu.memref_slice %arg3[%multiple_of3A] : memref<161280xi32, #tpu.memory_space<hbm>> -> memref<80xi32, #tpu.memory_space<hbm>>
        tpu.wait_dma2 semaphore(%run_scoped3A : memref<!tpu.dma_semaphore, #tpu.memory_space<semaphore_mem>>) src(%dma_wait3A_25 : memref<80xi32, #tpu.memory_space<hbm>>) dst(%arg7 : memref<80xi32, #tpu.memory_space<vmem>>)
        tpu.yield
      }) : () -> ()
      "tpu.region"() ({
        %run_scoped3A = tpu.sem_alloc : memref<!tpu.dma_semaphore, #tpu.memory_space<semaphore_mem>>
        %dma_start3A_22 = tpu.memref_slice %arg4[%multiple_of3A] : memref<161280xi32, #tpu.memory_space<hbm>> -> memref<80xi32, #tpu.memory_space<hbm>>
        %dma_start3A_23 = tpu.memref_slice %arg4[%multiple_of3A] : memref<161280xi32, #tpu.memory_space<hbm>> -> memref<80xi32, #tpu.memory_space<hbm>>
        tpu.enqueue_dma source(%dma_start3A_23 : memref<80xi32, #tpu.memory_space<hbm>>) target(%arg8 : memref<80xi32, #tpu.memory_space<vmem>>) target_semaphore(%run_scoped3A : memref<!tpu.dma_semaphore, #tpu.memory_space<semaphore_mem>>)
        %dma_wait3A_24 = tpu.memref_slice %arg4[%multiple_of3A] : memref<161280xi32, #tpu.memory_space<hbm>> -> memref<80xi32, #tpu.memory_space<hbm>>
        %dma_wait3A_25 = tpu.memref_slice %arg4[%multiple_of3A] : memref<161280xi32, #tpu.memory_space<hbm>> -> memref<80xi32, #tpu.memory_space<hbm>>
        tpu.wait_dma2 semaphore(%run_scoped3A : memref<!tpu.dma_semaphore, #tpu.memory_space<semaphore_mem>>) src(%dma_wait3A_25 : memref<80xi32, #tpu.memory_space<hbm>>) dst(%arg8 : memref<80xi32, #tpu.memory_space<vmem>>)
        tpu.yield
      }) : () -> ()
      %dma_start3A = arith.constant 0 : i32
      %dma_start3A_12 = arith.constant 0 : i32
      %dma_start3A_13 = tpu.memref_slice %arg2[%dma_start3A, %dma_start3A_12] : memref<10000x128xf32, #tpu.memory_space<hbm>> -> memref<10000x128xf32, #tpu.memory_space<hbm>>
      tpu.enqueue_indirect_dma source(%dma_start3A_13 : memref<10000x128xf32, #tpu.memory_space<hbm>>) target(%arg9 : memref<80x128xf32, #tpu.memory_space<vmem>>) offsets(%arg7 : memref<80xi32, #tpu.memory_space<vmem>>) semaphore(%arg11 : memref<!tpu.dma_semaphore, #tpu.memory_space<semaphore_mem>>)
      %dma_start3A_14 = arith.constant 0 : i32
      %dma_start3A_15 = arith.constant 0 : i32
      %dma_start3A_16 = tpu.memref_slice %arg2[%dma_start3A_14, %dma_start3A_15] : memref<10000x128xf32, #tpu.memory_space<hbm>> -> memref<10000x128xf32, #tpu.memory_space<hbm>>
      tpu.enqueue_indirect_dma source(%dma_start3A_16 : memref<10000x128xf32, #tpu.memory_space<hbm>>) target(%arg10 : memref<80x128xf32, #tpu.memory_space<vmem>>) offsets(%arg8 : memref<80xi32, #tpu.memory_space<vmem>>) semaphore(%arg12 : memref<!tpu.dma_semaphore, #tpu.memory_space<semaphore_mem>>)
      %dma_wait3A = arith.constant 0 : i32
      %dma_wait3A_17 = arith.constant 0 : i32
      %dma_wait3A_18 = tpu.memref_slice %arg2[%dma_wait3A, %dma_wait3A_17] : memref<10000x128xf32, #tpu.memory_space<hbm>> -> memref<10000x128xf32, #tpu.memory_space<hbm>>
      tpu.wait_indirect_dma semaphore(%arg11 : memref<!tpu.dma_semaphore, #tpu.memory_space<semaphore_mem>>) src(%dma_wait3A_18 : memref<10000x128xf32, #tpu.memory_space<hbm>>) dst(%arg9 : memref<80x128xf32, #tpu.memory_space<vmem>>)
      %dma_wait3A_19 = arith.constant 0 : i32
      %dma_wait3A_20 = arith.constant 0 : i32
      %dma_wait3A_21 = tpu.memref_slice %arg2[%dma_wait3A_19, %dma_wait3A_20] : memref<10000x128xf32, #tpu.memory_space<hbm>> -> memref<10000x128xf32, #tpu.memory_space<hbm>>
      tpu.wait_indirect_dma semaphore(%arg12 : memref<!tpu.dma_semaphore, #tpu.memory_space<semaphore_mem>>) src(%dma_wait3A_21 : memref<10000x128xf32, #tpu.memory_space<hbm>>) dst(%arg10 : memref<80x128xf32, #tpu.memory_space<vmem>>)
      "tpu.region"() ({
        %run_scoped3A = tpu.sem_alloc : memref<!tpu.dma_semaphore, #tpu.memory_space<semaphore_mem>>
        %dma_start3A_22 = arith.constant 0 : i32
        %dma_start3A_23 = tpu.memref_slice %arg5[%multiple_of3A, %dma_start3A_22] : memref<161280x128xf32, #tpu.memory_space<hbm>> -> memref<80x128xf32, #tpu.memory_space<hbm>>
        %dma_start3A_24 = arith.constant 0 : i32
        %dma_start3A_25 = tpu.memref_slice %arg5[%multiple_of3A, %dma_start3A_24] : memref<161280x128xf32, #tpu.memory_space<hbm>> -> memref<80x128xf32, #tpu.memory_space<hbm>>
        tpu.enqueue_dma source(%arg9 : memref<80x128xf32, #tpu.memory_space<vmem>>) target(%dma_start3A_25 : memref<80x128xf32, #tpu.memory_space<hbm>>) target_semaphore(%run_scoped3A : memref<!tpu.dma_semaphore, #tpu.memory_space<semaphore_mem>>)
        %dma_wait3A_26 = arith.constant 0 : i32
        %dma_wait3A_27 = tpu.memref_slice %arg5[%multiple_of3A, %dma_wait3A_26] : memref<161280x128xf32, #tpu.memory_space<hbm>> -> memref<80x128xf32, #tpu.memory_space<hbm>>
        %dma_wait3A_28 = arith.constant 0 : i32
        %dma_wait3A_29 = tpu.memref_slice %arg5[%multiple_of3A, %dma_wait3A_28] : memref<161280x128xf32, #tpu.memory_space<hbm>> -> memref<80x128xf32, #tpu.memory_space<hbm>>
        tpu.wait_dma2 semaphore(%run_scoped3A : memref<!tpu.dma_semaphore, #tpu.memory_space<semaphore_mem>>) src(%arg9 : memref<80x128xf32, #tpu.memory_space<vmem>>) dst(%dma_wait3A_29 : memref<80x128xf32, #tpu.memory_space<hbm>>)
        tpu.yield
      }) : () -> ()
      "tpu.region"() ({
        %run_scoped3A = tpu.sem_alloc : memref<!tpu.dma_semaphore, #tpu.memory_space<semaphore_mem>>
        %dma_start3A_22 = arith.constant 0 : i32
        %dma_start3A_23 = tpu.memref_slice %arg6[%multiple_of3A, %dma_start3A_22] : memref<161280x128xf32, #tpu.memory_space<hbm>> -> memref<80x128xf32, #tpu.memory_space<hbm>>
        %dma_start3A_24 = arith.constant 0 : i32
        %dma_start3A_25 = tpu.memref_slice %arg6[%multiple_of3A, %dma_start3A_24] : memref<161280x128xf32, #tpu.memory_space<hbm>> -> memref<80x128xf32, #tpu.memory_space<hbm>>
        tpu.enqueue_dma source(%arg10 : memref<80x128xf32, #tpu.memory_space<vmem>>) target(%dma_start3A_25 : memref<80x128xf32, #tpu.memory_space<hbm>>) target_semaphore(%run_scoped3A : memref<!tpu.dma_semaphore, #tpu.memory_space<semaphore_mem>>)
        %dma_wait3A_26 = arith.constant 0 : i32
        %dma_wait3A_27 = tpu.memref_slice %arg6[%multiple_of3A, %dma_wait3A_26] : memref<161280x128xf32, #tpu.memory_space<hbm>> -> memref<80x128xf32, #tpu.memory_space<hbm>>
        %dma_wait3A_28 = arith.constant 0 : i32
        %dma_wait3A_29 = tpu.memref_slice %arg6[%multiple_of3A, %dma_wait3A_28] : memref<161280x128xf32, #tpu.memory_space<hbm>> -> memref<80x128xf32, #tpu.memory_space<hbm>>
        tpu.wait_dma2 semaphore(%run_scoped3A : memref<!tpu.dma_semaphore, #tpu.memory_space<semaphore_mem>>) src(%arg10 : memref<80x128xf32, #tpu.memory_space<vmem>>) dst(%dma_wait3A_29 : memref<80x128xf32, #tpu.memory_space<hbm>>)
        tpu.yield
      }) : () -> ()
    }
    %scan3A_7 = arith.constant 63 : i32
    return
  }
}

#map = affine_map<(d0, d1) -> (0, 0)>
#map1 = affine_map<(d0, d1) -> (0)>
module attributes {stable_mosaic.version = 14 : i64} {
  func.func @k(%arg0: i32, %arg1: i32, %arg2: memref<161280x128xf32, #tpu.memory_space<hbm>>, %arg3: memref<158720x128xf32, #tpu.memory_space<hbm>>, %arg4: memref<320000xi32, #tpu.memory_space<hbm>>, %arg5: memref<80x128xf32, #tpu.memory_space<hbm>>, %arg6: memref<20480x128xf32, #tpu.memory_space<hbm>>, %arg7: memref<32x10240xf32, #tpu.memory_space<hbm>>, %arg8: memref<80xi32, #tpu.memory_space<vmem>>, %arg9: memref<80x128xf32, #tpu.memory_space<vmem>>, %arg10: memref<10240xf32, #tpu.memory_space<vmem>>, %arg11: memref<10240x128xf32, #tpu.memory_space<vmem_shared>>) attributes {dimension_semantics = [#tpu.dimension_semantics<core_parallel>, #tpu.dimension_semantics<subcore_parallel>], iteration_bounds = array<i64: 2, 16>, scalar_prefetch = 0 : i64, scratch_operands = 4 : i64, tpu.core_type = #tpu.core_type<sc_vector_subcore>, window_params = [{transform_indices = #map}, {transform_indices = #map}, {transform_indices = #map1}, {transform_indices = #map}, {transform_indices = #map}, {transform_indices = #map}]} {
    %mul3A = arith.constant 2 : i32
    %mul3A_0 = arith.muli %arg1, %mul3A : i32
    %add3A = arith.addi %mul3A_0, %arg0 : i32
    %mul3A_1 = arith.constant 640 : i32
    %mul3A_2 = arith.muli %arg1, %mul3A_1 : i32
    "tpu.region"() ({
      %run_scoped3A = tpu.sem_alloc : memref<!tpu.dma_semaphore, #tpu.memory_space<semaphore_mem>>
      tpu.enqueue_dma source(%arg5 : memref<80x128xf32, #tpu.memory_space<hbm>>) target(%arg9 : memref<80x128xf32, #tpu.memory_space<vmem>>) target_semaphore(%run_scoped3A : memref<!tpu.dma_semaphore, #tpu.memory_space<semaphore_mem>>)
      tpu.wait_dma2 semaphore(%run_scoped3A : memref<!tpu.dma_semaphore, #tpu.memory_space<semaphore_mem>>) src(%arg5 : memref<80x128xf32, #tpu.memory_space<hbm>>) dst(%arg9 : memref<80x128xf32, #tpu.memory_space<vmem>>)
      tpu.yield
    }) : () -> ()
    %scan3A = arith.constant 0 : i32
    %scan3A_3 = arith.constant 0 : i32
    %scan3A_4 = arith.constant 8 : i32
    %scan3A_5 = arith.addi %scan3A_3, %scan3A_4 : i32
    %scan3A_6 = arith.constant 1 : i32
    scf.for %scan3A_47 = %scan3A_3 to %scan3A_5 step %scan3A_6  : i32 {
      %mul3A_48 = arith.constant 80 : i32
      %mul3A_49 = arith.muli %scan3A_47, %mul3A_48 : i32
      %add3A_50 = arith.addi %mul3A_2, %mul3A_49 : i32
      %multiple_of3A = tpu.assume_multiple %add3A_50, 8 : i32
      "tpu.region"() ({
        %run_scoped3A = tpu.sem_alloc : memref<!tpu.dma_semaphore, #tpu.memory_space<semaphore_mem>>
        %dma_start3A = arith.constant 0 : i32
        %dma_start3A_51 = tpu.memref_slice %arg11[%multiple_of3A, %dma_start3A] : memref<10240x128xf32, #tpu.memory_space<vmem_shared>> -> memref<80x128xf32, #tpu.memory_space<vmem_shared>>
        %dma_start3A_52 = arith.constant 0 : i32
        %dma_start3A_53 = tpu.memref_slice %arg11[%multiple_of3A, %dma_start3A_52] : memref<10240x128xf32, #tpu.memory_space<vmem_shared>> -> memref<80x128xf32, #tpu.memory_space<vmem_shared>>
        tpu.enqueue_dma source(%arg9 : memref<80x128xf32, #tpu.memory_space<vmem>>) target(%dma_start3A_53 : memref<80x128xf32, #tpu.memory_space<vmem_shared>>) target_semaphore(%run_scoped3A : memref<!tpu.dma_semaphore, #tpu.memory_space<semaphore_mem>>)
        %dma_wait3A = arith.constant 0 : i32
        %dma_wait3A_54 = tpu.memref_slice %arg11[%multiple_of3A, %dma_wait3A] : memref<10240x128xf32, #tpu.memory_space<vmem_shared>> -> memref<80x128xf32, #tpu.memory_space<vmem_shared>>
        %dma_wait3A_55 = arith.constant 0 : i32
        %dma_wait3A_56 = tpu.memref_slice %arg11[%multiple_of3A, %dma_wait3A_55] : memref<10240x128xf32, #tpu.memory_space<vmem_shared>> -> memref<80x128xf32, #tpu.memory_space<vmem_shared>>
        tpu.wait_dma2 semaphore(%run_scoped3A : memref<!tpu.dma_semaphore, #tpu.memory_space<semaphore_mem>>) src(%arg9 : memref<80x128xf32, #tpu.memory_space<vmem>>) dst(%dma_wait3A_56 : memref<80x128xf32, #tpu.memory_space<vmem_shared>>)
        tpu.yield
      }) : () -> ()
    }
    %scan3A_7 = arith.constant 8 : i32
    %broadcast_in_dim3A = arith.constant 0.000000e+00 : f32
    %broadcast_in_dim3A_8 = vector.broadcast %broadcast_in_dim3A : f32 to vector<16xf32>
    %scan3A_9 = arith.constant 0 : i32
    %scan3A_10 = arith.constant 0 : i32
    %scan3A_11 = arith.constant 640 : i32
    %scan3A_12 = arith.addi %scan3A_10, %scan3A_11 : i32
    %scan3A_13 = arith.constant 1 : i32
    scf.for %scan3A_47 = %scan3A_10 to %scan3A_12 step %scan3A_13  : i32 {
      %mul3A_48 = arith.constant 16 : i32
      %mul3A_49 = arith.muli %scan3A_47, %mul3A_48 : i32
      %swap3A = arith.index_cast %mul3A_49 : i32 to index
      %swap3A_50 = tpu.vector_load %arg10[%swap3A] {strides = array<i32>} : memref<10240xf32, #tpu.memory_space<vmem>>, vector<16xf32>,
      tpu.vector_store %arg10[%swap3A], %broadcast_in_dim3A_8 {strides = array<i32>} : memref<10240xf32, #tpu.memory_space<vmem>>, vector<16xf32>,
    }
    %scan3A_14 = arith.constant 640 : i32
    %barrier3A = arith.constant 0 : index
    tpu.barrier barrier_id(%barrier3A)
    %jit3A = arith.constant 16 : i32
    %div3A = arith.divsi %add3A, %jit3A : i32
    %sign3A = arith.constant 0 : i32
    %sign3A_15 = arith.cmpi sgt, %add3A, %sign3A : i32
    %sign3A_16 = arith.extui %sign3A_15 : i1 to i32
    %sign3A_17 = arith.constant 0 : i32
    %sign3A_18 = arith.cmpi slt, %add3A, %sign3A_17 : i32
    %sign3A_19 = arith.extui %sign3A_18 : i1 to i32
    %sign3A_20 = arith.subi %sign3A_16, %sign3A_19 : i32
    %sign3A_21 = arith.constant 0 : i32
    %sign3A_22 = arith.cmpi sgt, %jit3A, %sign3A_21 : i32
    %sign3A_23 = arith.extui %sign3A_22 : i1 to i32
    %sign3A_24 = arith.constant 0 : i32
    %sign3A_25 = arith.cmpi slt, %jit3A, %sign3A_24 : i32
    %sign3A_26 = arith.extui %sign3A_25 : i1 to i32
    %sign3A_27 = arith.subi %sign3A_23, %sign3A_26 : i32
    %ne3A = arith.cmpi ne, %sign3A_20, %sign3A_27 : i32
    %rem3A = arith.remsi %add3A, %jit3A : i32
    %ne3A_28 = arith.constant 0 : i32
    %ne3A_29 = arith.cmpi ne, %rem3A, %ne3A_28 : i32
    %and3A = arith.andi %ne3A, %ne3A_29 : i1
    %sub3A = arith.constant 1 : i32
    %sub3A_30 = arith.subi %div3A, %sub3A : i32
    %select_n3A = arith.select %and3A, %sub3A_30, %div3A : i32
    %broadcast_in_dim3A_31 = arith.constant 1.000000e+00 : f32
    %broadcast_in_dim3A_32 = vector.broadcast %broadcast_in_dim3A_31 : f32 to vector<16xf32>
    %eq3A = arith.constant 0 : i32
    %eq3A_33 = arith.cmpi eq, %select_n3A, %eq3A : i32
    %convert_element_type3A = arith.extui %eq3A_33 : i1 to i32
    %cond3A = arith.constant 0 : i32
    %cond3A_34 = arith.cmpi ne, %convert_element_type3A, %cond3A : i32
    scf.if %cond3A_34 {
      %jit3A_47 = arith.constant 16 : i32
      %eq3A_48 = arith.constant 0 : i32
      %eq3A_49 = arith.cmpi eq, %jit3A_47, %eq3A_48 : i32
      %jit3A_50 = arith.constant 1 : i32
      %select_n3A_51 = arith.select %eq3A_49, %jit3A_50, %jit3A_47 : i32
      %rem3A_52 = arith.remsi %add3A, %select_n3A_51 : i32
      %ne3A_53 = arith.constant 0 : i32
      %ne3A_54 = arith.cmpi ne, %rem3A_52, %ne3A_53 : i32
      %lt3A = arith.constant 0 : i32
      %lt3A_55 = arith.cmpi slt, %rem3A_52, %lt3A : i32
      %lt3A_56 = arith.constant 0 : i32
      %lt3A_57 = arith.cmpi slt, %select_n3A_51, %lt3A_56 : i32
      %ne3A_58 = arith.xori %lt3A_55, %lt3A_57 : i1
      %and3A_59 = arith.andi %ne3A_58, %ne3A_54 : i1
      %add3A_60 = arith.addi %rem3A_52, %select_n3A_51 : i32
      %select_n3A_61 = arith.select %and3A_59, %add3A_60, %rem3A_52 : i32
      %mul3A_62 = arith.constant 10080 : i32
      %mul3A_63 = arith.muli %select_n3A_61, %mul3A_62 : i32
      %scan3A_64 = arith.constant 0 : i32
      %scan3A_65 = arith.constant 0 : i32
      %scan3A_66 = arith.constant 126 : i32
      %scan3A_67 = arith.addi %scan3A_65, %scan3A_66 : i32
      %scan3A_68 = arith.constant 1 : i32
      scf.for %scan3A_70 = %scan3A_65 to %scan3A_67 step %scan3A_68  : i32 {
        %mul3A_71 = arith.constant 80 : i32
        %mul3A_72 = arith.muli %scan3A_70, %mul3A_71 : i32
        %add3A_73 = arith.addi %mul3A_63, %mul3A_72 : i32
        %multiple_of3A = tpu.assume_multiple %add3A_73, 8 : i32
        %mul3A_74 = arith.constant 80 : i32
        %mul3A_75 = arith.muli %scan3A_70, %mul3A_74 : i32
        %add3A_76 = arith.addi %mul3A_63, %mul3A_75 : i32
        %multiple_of3A_77 = tpu.assume_multiple %add3A_76, 8 : i32
        "tpu.region"() ({
          %run_scoped3A = tpu.sem_alloc : memref<!tpu.dma_semaphore, #tpu.memory_space<semaphore_mem>>
          %dma_start3A = tpu.memref_slice %arg4[%multiple_of3A_77] : memref<320000xi32, #tpu.memory_space<hbm>> -> memref<80xi32, #tpu.memory_space<hbm>>
          %dma_start3A_87 = tpu.memref_slice %arg4[%multiple_of3A_77] : memref<320000xi32, #tpu.memory_space<hbm>> -> memref<80xi32, #tpu.memory_space<hbm>>
          tpu.enqueue_dma source(%dma_start3A_87 : memref<80xi32, #tpu.memory_space<hbm>>) target(%arg8 : memref<80xi32, #tpu.memory_space<vmem>>) target_semaphore(%run_scoped3A : memref<!tpu.dma_semaphore, #tpu.memory_space<semaphore_mem>>)
          %dma_wait3A = tpu.memref_slice %arg4[%multiple_of3A_77] : memref<320000xi32, #tpu.memory_space<hbm>> -> memref<80xi32, #tpu.memory_space<hbm>>
          %dma_wait3A_88 = tpu.memref_slice %arg4[%multiple_of3A_77] : memref<320000xi32, #tpu.memory_space<hbm>> -> memref<80xi32, #tpu.memory_space<hbm>>
          tpu.wait_dma2 semaphore(%run_scoped3A : memref<!tpu.dma_semaphore, #tpu.memory_space<semaphore_mem>>) src(%dma_wait3A_88 : memref<80xi32, #tpu.memory_space<hbm>>) dst(%arg8 : memref<80xi32, #tpu.memory_space<vmem>>)
          tpu.yield
        }) : () -> ()
        "tpu.region"() ({
          %run_scoped3A = tpu.sem_alloc : memref<!tpu.dma_semaphore, #tpu.memory_space<semaphore_mem>>
          %dma_start3A = arith.constant 0 : i32
          %dma_start3A_87 = tpu.memref_slice %arg2[%multiple_of3A, %dma_start3A] : memref<161280x128xf32, #tpu.memory_space<hbm>> -> memref<80x128xf32, #tpu.memory_space<hbm>>
          %dma_start3A_88 = arith.constant 0 : i32
          %dma_start3A_89 = tpu.memref_slice %arg2[%multiple_of3A, %dma_start3A_88] : memref<161280x128xf32, #tpu.memory_space<hbm>> -> memref<80x128xf32, #tpu.memory_space<hbm>>
          tpu.enqueue_dma source(%dma_start3A_89 : memref<80x128xf32, #tpu.memory_space<hbm>>) target(%arg9 : memref<80x128xf32, #tpu.memory_space<vmem>>) target_semaphore(%run_scoped3A : memref<!tpu.dma_semaphore, #tpu.memory_space<semaphore_mem>>)
          %dma_wait3A = arith.constant 0 : i32
          %dma_wait3A_90 = tpu.memref_slice %arg2[%multiple_of3A, %dma_wait3A] : memref<161280x128xf32, #tpu.memory_space<hbm>> -> memref<80x128xf32, #tpu.memory_space<hbm>>
          %dma_wait3A_91 = arith.constant 0 : i32
          %dma_wait3A_92 = tpu.memref_slice %arg2[%multiple_of3A, %dma_wait3A_91] : memref<161280x128xf32, #tpu.memory_space<hbm>> -> memref<80x128xf32, #tpu.memory_space<hbm>>
          tpu.wait_dma2 semaphore(%run_scoped3A : memref<!tpu.dma_semaphore, #tpu.memory_space<semaphore_mem>>) src(%dma_wait3A_92 : memref<80x128xf32, #tpu.memory_space<hbm>>) dst(%arg9 : memref<80x128xf32, #tpu.memory_space<vmem>>)
          tpu.yield
        }) : () -> ()
        "tpu.region"() ({
          %run_scoped3A = tpu.sem_alloc : memref<!tpu.dma_semaphore, #tpu.memory_space<semaphore_mem>>
          %dma_start3A = arith.constant 0 : i32
          %dma_start3A_87 = arith.constant 0 : i32
          %dma_start3A_88 = tpu.memref_slice %arg11[%dma_start3A, %dma_start3A_87] : memref<10240x128xf32, #tpu.memory_space<vmem_shared>> -> memref<10240x128xf32, #tpu.memory_space<vmem_shared>>
          tpu.enqueue_indirect_dma source(%arg9 : memref<80x128xf32, #tpu.memory_space<vmem>>) target(%dma_start3A_88 : memref<10240x128xf32, #tpu.memory_space<vmem_shared>>) offsets(%arg8 : memref<80xi32, #tpu.memory_space<vmem>>) semaphore(%run_scoped3A : memref<!tpu.dma_semaphore, #tpu.memory_space<semaphore_mem>>) {add = true}
          %dma_wait3A = arith.constant 0 : i32
          %dma_wait3A_89 = arith.constant 0 : i32
          %dma_wait3A_90 = tpu.memref_slice %arg11[%dma_wait3A, %dma_wait3A_89] : memref<10240x128xf32, #tpu.memory_space<vmem_shared>> -> memref<10240x128xf32, #tpu.memory_space<vmem_shared>>
          tpu.wait_indirect_dma semaphore(%run_scoped3A : memref<!tpu.dma_semaphore, #tpu.memory_space<semaphore_mem>>) src(%arg9 : memref<80x128xf32, #tpu.memory_space<vmem>>) dst(%dma_wait3A_90 : memref<10240x128xf32, #tpu.memory_space<vmem_shared>>)
          tpu.yield
        }) : () -> ()
        %get3A = arith.constant 0 : index
        %get3A_78 = tpu.vector_load %arg8[%get3A] {strides = array<i32>} : memref<80xi32, #tpu.memory_space<vmem>>, vector<16xi32>,
        tpu.vector_store_idx %arg10[%get3A_78], %broadcast_in_dim3A_32 {add = true} : memref<10240xf32, #tpu.memory_space<vmem>>[vector<16xi32>], vector<16xf32>,
        %get3A_79 = arith.constant 16 : index
        %get3A_80 = tpu.vector_load %arg8[%get3A_79] {strides = array<i32>} : memref<80xi32, #tpu.memory_space<vmem>>, vector<16xi32>,
        tpu.vector_store_idx %arg10[%get3A_80], %broadcast_in_dim3A_32 {add = true} : memref<10240xf32, #tpu.memory_space<vmem>>[vector<16xi32>], vector<16xf32>,
        %get3A_81 = arith.constant 32 : index
        %get3A_82 = tpu.vector_load %arg8[%get3A_81] {strides = array<i32>} : memref<80xi32, #tpu.memory_space<vmem>>, vector<16xi32>,
        tpu.vector_store_idx %arg10[%get3A_82], %broadcast_in_dim3A_32 {add = true} : memref<10240xf32, #tpu.memory_space<vmem>>[vector<16xi32>], vector<16xf32>,
        %get3A_83 = arith.constant 48 : index
        %get3A_84 = tpu.vector_load %arg8[%get3A_83] {strides = array<i32>} : memref<80xi32, #tpu.memory_space<vmem>>, vector<16xi32>,
        tpu.vector_store_idx %arg10[%get3A_84], %broadcast_in_dim3A_32 {add = true} : memref<10240xf32, #tpu.memory_space<vmem>>[vector<16xi32>], vector<16xf32>,
        %get3A_85 = arith.constant 64 : index
        %get3A_86 = tpu.vector_load %arg8[%get3A_85] {strides = array<i32>} : memref<80xi32, #tpu.memory_space<vmem>>, vector<16xi32>,
        tpu.vector_store_idx %arg10[%get3A_86], %broadcast_in_dim3A_32 {add = true} : memref<10240xf32, #tpu.memory_space<vmem>>[vector<16xi32>], vector<16xf32>,
      }
      %scan3A_69 = arith.constant 126 : i32
    } else {
    }
    %eq3A_35 = arith.constant 1 : i32
    %eq3A_36 = arith.cmpi eq, %select_n3A, %eq3A_35 : i32
    %convert_element_type3A_37 = arith.extui %eq3A_36 : i1 to i32
    %cond3A_38 = arith.constant 0 : i32
    %cond3A_39 = arith.cmpi ne, %convert_element_type3A_37, %cond3A_38 : i32
    scf.if %cond3A_39 {
      %jit3A_47 = arith.constant 16 : i32
      %eq3A_48 = arith.constant 0 : i32
      %eq3A_49 = arith.cmpi eq, %jit3A_47, %eq3A_48 : i32
      %jit3A_50 = arith.constant 1 : i32
      %select_n3A_51 = arith.select %eq3A_49, %jit3A_50, %jit3A_47 : i32
      %rem3A_52 = arith.remsi %add3A, %select_n3A_51 : i32
      %ne3A_53 = arith.constant 0 : i32
      %ne3A_54 = arith.cmpi ne, %rem3A_52, %ne3A_53 : i32
      %lt3A = arith.constant 0 : i32
      %lt3A_55 = arith.cmpi slt, %rem3A_52, %lt3A : i32
      %lt3A_56 = arith.constant 0 : i32
      %lt3A_57 = arith.cmpi slt, %select_n3A_51, %lt3A_56 : i32
      %ne3A_58 = arith.xori %lt3A_55, %lt3A_57 : i1
      %and3A_59 = arith.andi %ne3A_58, %ne3A_54 : i1
      %add3A_60 = arith.addi %rem3A_52, %select_n3A_51 : i32
      %select_n3A_61 = arith.select %and3A_59, %add3A_60, %rem3A_52 : i32
      %mul3A_62 = arith.constant 9920 : i32
      %mul3A_63 = arith.muli %select_n3A_61, %mul3A_62 : i32
      %add3A_64 = arith.constant 161280 : i32
      %add3A_65 = arith.addi %add3A_64, %mul3A_63 : i32
      %scan3A_66 = arith.constant 0 : i32
      %scan3A_67 = arith.constant 0 : i32
      %scan3A_68 = arith.constant 124 : i32
      %scan3A_69 = arith.addi %scan3A_67, %scan3A_68 : i32
      %scan3A_70 = arith.constant 1 : i32
      scf.for %scan3A_72 = %scan3A_67 to %scan3A_69 step %scan3A_70  : i32 {
        %mul3A_73 = arith.constant 80 : i32
        %mul3A_74 = arith.muli %scan3A_72, %mul3A_73 : i32
        %add3A_75 = arith.addi %mul3A_63, %mul3A_74 : i32
        %multiple_of3A = tpu.assume_multiple %add3A_75, 8 : i32
        %mul3A_76 = arith.constant 80 : i32
        %mul3A_77 = arith.muli %scan3A_72, %mul3A_76 : i32
        %add3A_78 = arith.addi %add3A_65, %mul3A_77 : i32
        %multiple_of3A_79 = tpu.assume_multiple %add3A_78, 8 : i32
        "tpu.region"() ({
          %run_scoped3A = tpu.sem_alloc : memref<!tpu.dma_semaphore, #tpu.memory_space<semaphore_mem>>
          %dma_start3A = tpu.memref_slice %arg4[%multiple_of3A_79] : memref<320000xi32, #tpu.memory_space<hbm>> -> memref<80xi32, #tpu.memory_space<hbm>>
          %dma_start3A_89 = tpu.memref_slice %arg4[%multiple_of3A_79] : memref<320000xi32, #tpu.memory_space<hbm>> -> memref<80xi32, #tpu.memory_space<hbm>>
          tpu.enqueue_dma source(%dma_start3A_89 : memref<80xi32, #tpu.memory_space<hbm>>) target(%arg8 : memref<80xi32, #tpu.memory_space<vmem>>) target_semaphore(%run_scoped3A : memref<!tpu.dma_semaphore, #tpu.memory_space<semaphore_mem>>)
          %dma_wait3A = tpu.memref_slice %arg4[%multiple_of3A_79] : memref<320000xi32, #tpu.memory_space<hbm>> -> memref<80xi32, #tpu.memory_space<hbm>>
          %dma_wait3A_90 = tpu.memref_slice %arg4[%multiple_of3A_79] : memref<320000xi32, #tpu.memory_space<hbm>> -> memref<80xi32, #tpu.memory_space<hbm>>
          tpu.wait_dma2 semaphore(%run_scoped3A : memref<!tpu.dma_semaphore, #tpu.memory_space<semaphore_mem>>) src(%dma_wait3A_90 : memref<80xi32, #tpu.memory_space<hbm>>) dst(%arg8 : memref<80xi32, #tpu.memory_space<vmem>>)
          tpu.yield
        }) : () -> ()
        "tpu.region"() ({
          %run_scoped3A = tpu.sem_alloc : memref<!tpu.dma_semaphore, #tpu.memory_space<semaphore_mem>>
          %dma_start3A = arith.constant 0 : i32
          %dma_start3A_89 = tpu.memref_slice %arg3[%multiple_of3A, %dma_start3A] : memref<158720x128xf32, #tpu.memory_space<hbm>> -> memref<80x128xf32, #tpu.memory_space<hbm>>
          %dma_start3A_90 = arith.constant 0 : i32
          %dma_start3A_91 = tpu.memref_slice %arg3[%multiple_of3A, %dma_start3A_90] : memref<158720x128xf32, #tpu.memory_space<hbm>> -> memref<80x128xf32, #tpu.memory_space<hbm>>
          tpu.enqueue_dma source(%dma_start3A_91 : memref<80x128xf32, #tpu.memory_space<hbm>>) target(%arg9 : memref<80x128xf32, #tpu.memory_space<vmem>>) target_semaphore(%run_scoped3A : memref<!tpu.dma_semaphore, #tpu.memory_space<semaphore_mem>>)
          %dma_wait3A = arith.constant 0 : i32
          %dma_wait3A_92 = tpu.memref_slice %arg3[%multiple_of3A, %dma_wait3A] : memref<158720x128xf32, #tpu.memory_space<hbm>> -> memref<80x128xf32, #tpu.memory_space<hbm>>
          %dma_wait3A_93 = arith.constant 0 : i32
          %dma_wait3A_94 = tpu.memref_slice %arg3[%multiple_of3A, %dma_wait3A_93] : memref<158720x128xf32, #tpu.memory_space<hbm>> -> memref<80x128xf32, #tpu.memory_space<hbm>>
          tpu.wait_dma2 semaphore(%run_scoped3A : memref<!tpu.dma_semaphore, #tpu.memory_space<semaphore_mem>>) src(%dma_wait3A_94 : memref<80x128xf32, #tpu.memory_space<hbm>>) dst(%arg9 : memref<80x128xf32, #tpu.memory_space<vmem>>)
          tpu.yield
        }) : () -> ()
        "tpu.region"() ({
          %run_scoped3A = tpu.sem_alloc : memref<!tpu.dma_semaphore, #tpu.memory_space<semaphore_mem>>
          %dma_start3A = arith.constant 0 : i32
          %dma_start3A_89 = arith.constant 0 : i32
          %dma_start3A_90 = tpu.memref_slice %arg11[%dma_start3A, %dma_start3A_89] : memref<10240x128xf32, #tpu.memory_space<vmem_shared>> -> memref<10240x128xf32, #tpu.memory_space<vmem_shared>>
          tpu.enqueue_indirect_dma source(%arg9 : memref<80x128xf32, #tpu.memory_space<vmem>>) target(%dma_start3A_90 : memref<10240x128xf32, #tpu.memory_space<vmem_shared>>) offsets(%arg8 : memref<80xi32, #tpu.memory_space<vmem>>) semaphore(%run_scoped3A : memref<!tpu.dma_semaphore, #tpu.memory_space<semaphore_mem>>) {add = true}
          %dma_wait3A = arith.constant 0 : i32
          %dma_wait3A_91 = arith.constant 0 : i32
          %dma_wait3A_92 = tpu.memref_slice %arg11[%dma_wait3A, %dma_wait3A_91] : memref<10240x128xf32, #tpu.memory_space<vmem_shared>> -> memref<10240x128xf32, #tpu.memory_space<vmem_shared>>
          tpu.wait_indirect_dma semaphore(%run_scoped3A : memref<!tpu.dma_semaphore, #tpu.memory_space<semaphore_mem>>) src(%arg9 : memref<80x128xf32, #tpu.memory_space<vmem>>) dst(%dma_wait3A_92 : memref<10240x128xf32, #tpu.memory_space<vmem_shared>>)
          tpu.yield
        }) : () -> ()
        %get3A = arith.constant 0 : index
        %get3A_80 = tpu.vector_load %arg8[%get3A] {strides = array<i32>} : memref<80xi32, #tpu.memory_space<vmem>>, vector<16xi32>,
        tpu.vector_store_idx %arg10[%get3A_80], %broadcast_in_dim3A_32 {add = true} : memref<10240xf32, #tpu.memory_space<vmem>>[vector<16xi32>], vector<16xf32>,
        %get3A_81 = arith.constant 16 : index
        %get3A_82 = tpu.vector_load %arg8[%get3A_81] {strides = array<i32>} : memref<80xi32, #tpu.memory_space<vmem>>, vector<16xi32>,
        tpu.vector_store_idx %arg10[%get3A_82], %broadcast_in_dim3A_32 {add = true} : memref<10240xf32, #tpu.memory_space<vmem>>[vector<16xi32>], vector<16xf32>,
        %get3A_83 = arith.constant 32 : index
        %get3A_84 = tpu.vector_load %arg8[%get3A_83] {strides = array<i32>} : memref<80xi32, #tpu.memory_space<vmem>>, vector<16xi32>,
        tpu.vector_store_idx %arg10[%get3A_84], %broadcast_in_dim3A_32 {add = true} : memref<10240xf32, #tpu.memory_space<vmem>>[vector<16xi32>], vector<16xf32>,
        %get3A_85 = arith.constant 48 : index
        %get3A_86 = tpu.vector_load %arg8[%get3A_85] {strides = array<i32>} : memref<80xi32, #tpu.memory_space<vmem>>, vector<16xi32>,
        tpu.vector_store_idx %arg10[%get3A_86], %broadcast_in_dim3A_32 {add = true} : memref<10240xf32, #tpu.memory_space<vmem>>[vector<16xi32>], vector<16xf32>,
        %get3A_87 = arith.constant 64 : index
        %get3A_88 = tpu.vector_load %arg8[%get3A_87] {strides = array<i32>} : memref<80xi32, #tpu.memory_space<vmem>>, vector<16xi32>,
        tpu.vector_store_idx %arg10[%get3A_88], %broadcast_in_dim3A_32 {add = true} : memref<10240xf32, #tpu.memory_space<vmem>>[vector<16xi32>], vector<16xf32>,
      }
      %scan3A_71 = arith.constant 124 : i32
    } else {
    }
    %barrier3A_40 = arith.constant 0 : index
    tpu.barrier barrier_id(%barrier3A_40)
    "tpu.region"() ({
      %run_scoped3A = tpu.sem_alloc : memref<!tpu.dma_semaphore, #tpu.memory_space<semaphore_mem>>
      %dma_start3A = arith.constant 0 : i32
      %dma_start3A_47 = tpu.memref_slice %arg7[%add3A, %dma_start3A] : memref<32x10240xf32, #tpu.memory_space<hbm>> -> memref<1x10240xf32, #tpu.memory_space<hbm>>
      %dma_start3A_48 = tpu.memref_squeeze %dma_start3A_47 : memref<1x10240xf32, #tpu.memory_space<hbm>> -> memref<10240xf32, #tpu.memory_space<hbm>>
      %dma_start3A_49 = arith.constant 0 : i32
      %dma_start3A_50 = tpu.memref_slice %arg7[%add3A, %dma_start3A_49] : memref<32x10240xf32, #tpu.memory_space<hbm>> -> memref<1x10240xf32, #tpu.memory_space<hbm>>
      %dma_start3A_51 = tpu.memref_squeeze %dma_start3A_50 : memref<1x10240xf32, #tpu.memory_space<hbm>> -> memref<10240xf32, #tpu.memory_space<hbm>>
      tpu.enqueue_dma source(%arg10 : memref<10240xf32, #tpu.memory_space<vmem>>) target(%dma_start3A_51 : memref<10240xf32, #tpu.memory_space<hbm>>) target_semaphore(%run_scoped3A : memref<!tpu.dma_semaphore, #tpu.memory_space<semaphore_mem>>)
      %dma_wait3A = arith.constant 0 : i32
      %dma_wait3A_52 = tpu.memref_slice %arg7[%add3A, %dma_wait3A] : memref<32x10240xf32, #tpu.memory_space<hbm>> -> memref<1x10240xf32, #tpu.memory_space<hbm>>
      %dma_wait3A_53 = tpu.memref_squeeze %dma_wait3A_52 : memref<1x10240xf32, #tpu.memory_space<hbm>> -> memref<10240xf32, #tpu.memory_space<hbm>>
      %dma_wait3A_54 = arith.constant 0 : i32
      %dma_wait3A_55 = tpu.memref_slice %arg7[%add3A, %dma_wait3A_54] : memref<32x10240xf32, #tpu.memory_space<hbm>> -> memref<1x10240xf32, #tpu.memory_space<hbm>>
      %dma_wait3A_56 = tpu.memref_squeeze %dma_wait3A_55 : memref<1x10240xf32, #tpu.memory_space<hbm>> -> memref<10240xf32, #tpu.memory_space<hbm>>
      tpu.wait_dma2 semaphore(%run_scoped3A : memref<!tpu.dma_semaphore, #tpu.memory_space<semaphore_mem>>) src(%arg10 : memref<10240xf32, #tpu.memory_space<vmem>>) dst(%dma_wait3A_56 : memref<10240xf32, #tpu.memory_space<hbm>>)
      tpu.yield
    }) : () -> ()
    %scan3A_41 = arith.constant 0 : i32
    %scan3A_42 = arith.constant 0 : i32
    %scan3A_43 = arith.constant 8 : i32
    %scan3A_44 = arith.addi %scan3A_42, %scan3A_43 : i32
    %scan3A_45 = arith.constant 1 : i32
    scf.for %scan3A_47 = %scan3A_42 to %scan3A_44 step %scan3A_45  : i32 {
      %mul3A_48 = arith.constant 80 : i32
      %mul3A_49 = arith.muli %scan3A_47, %mul3A_48 : i32
      %add3A_50 = arith.addi %mul3A_2, %mul3A_49 : i32
      %multiple_of3A = tpu.assume_multiple %add3A_50, 8 : i32
      %mul3A_51 = arith.constant 10240 : i32
      %mul3A_52 = arith.muli %arg0, %mul3A_51 : i32
      %add3A_53 = arith.addi %mul3A_52, %mul3A_2 : i32
      %mul3A_54 = arith.constant 80 : i32
      %mul3A_55 = arith.muli %scan3A_47, %mul3A_54 : i32
      %add3A_56 = arith.addi %add3A_53, %mul3A_55 : i32
      %multiple_of3A_57 = tpu.assume_multiple %add3A_56, 8 : i32
      "tpu.region"() ({
        %run_scoped3A = tpu.sem_alloc : memref<!tpu.dma_semaphore, #tpu.memory_space<semaphore_mem>>
        %dma_start3A = arith.constant 0 : i32
        %dma_start3A_58 = tpu.memref_slice %arg11[%multiple_of3A, %dma_start3A] : memref<10240x128xf32, #tpu.memory_space<vmem_shared>> -> memref<80x128xf32, #tpu.memory_space<vmem_shared>>
        %dma_start3A_59 = arith.constant 0 : i32
        %dma_start3A_60 = tpu.memref_slice %arg11[%multiple_of3A, %dma_start3A_59] : memref<10240x128xf32, #tpu.memory_space<vmem_shared>> -> memref<80x128xf32, #tpu.memory_space<vmem_shared>>
        tpu.enqueue_dma source(%dma_start3A_60 : memref<80x128xf32, #tpu.memory_space<vmem_shared>>) target(%arg9 : memref<80x128xf32, #tpu.memory_space<vmem>>) target_semaphore(%run_scoped3A : memref<!tpu.dma_semaphore, #tpu.memory_space<semaphore_mem>>)
        %dma_wait3A = arith.constant 0 : i32
        %dma_wait3A_61 = tpu.memref_slice %arg11[%multiple_of3A, %dma_wait3A] : memref<10240x128xf32, #tpu.memory_space<vmem_shared>> -> memref<80x128xf32, #tpu.memory_space<vmem_shared>>
        %dma_wait3A_62 = arith.constant 0 : i32
        %dma_wait3A_63 = tpu.memref_slice %arg11[%multiple_of3A, %dma_wait3A_62] : memref<10240x128xf32, #tpu.memory_space<vmem_shared>> -> memref<80x128xf32, #tpu.memory_space<vmem_shared>>
        tpu.wait_dma2 semaphore(%run_scoped3A : memref<!tpu.dma_semaphore, #tpu.memory_space<semaphore_mem>>) src(%dma_wait3A_63 : memref<80x128xf32, #tpu.memory_space<vmem_shared>>) dst(%arg9 : memref<80x128xf32, #tpu.memory_space<vmem>>)
        tpu.yield
      }) : () -> ()
      "tpu.region"() ({
        %run_scoped3A = tpu.sem_alloc : memref<!tpu.dma_semaphore, #tpu.memory_space<semaphore_mem>>
        %dma_start3A = arith.constant 0 : i32
        %dma_start3A_58 = tpu.memref_slice %arg6[%multiple_of3A_57, %dma_start3A] : memref<20480x128xf32, #tpu.memory_space<hbm>> -> memref<80x128xf32, #tpu.memory_space<hbm>>
        %dma_start3A_59 = arith.constant 0 : i32
        %dma_start3A_60 = tpu.memref_slice %arg6[%multiple_of3A_57, %dma_start3A_59] : memref<20480x128xf32, #tpu.memory_space<hbm>> -> memref<80x128xf32, #tpu.memory_space<hbm>>
        tpu.enqueue_dma source(%arg9 : memref<80x128xf32, #tpu.memory_space<vmem>>) target(%dma_start3A_60 : memref<80x128xf32, #tpu.memory_space<hbm>>) target_semaphore(%run_scoped3A : memref<!tpu.dma_semaphore, #tpu.memory_space<semaphore_mem>>)
        %dma_wait3A = arith.constant 0 : i32
        %dma_wait3A_61 = tpu.memref_slice %arg6[%multiple_of3A_57, %dma_wait3A] : memref<20480x128xf32, #tpu.memory_space<hbm>> -> memref<80x128xf32, #tpu.memory_space<hbm>>
        %dma_wait3A_62 = arith.constant 0 : i32
        %dma_wait3A_63 = tpu.memref_slice %arg6[%multiple_of3A_57, %dma_wait3A_62] : memref<20480x128xf32, #tpu.memory_space<hbm>> -> memref<80x128xf32, #tpu.memory_space<hbm>>
        tpu.wait_dma2 semaphore(%run_scoped3A : memref<!tpu.dma_semaphore, #tpu.memory_space<semaphore_mem>>) src(%arg9 : memref<80x128xf32, #tpu.memory_space<vmem>>) dst(%dma_wait3A_63 : memref<80x128xf32, #tpu.memory_space<hbm>>)
        tpu.yield
      }) : () -> ()
    }
    %scan3A_46 = arith.constant 8 : i32
    return
  }
}

#map = affine_map<(d0, d1) -> (0, 0)>
#map1 = affine_map<(d0, d1) -> (0)>
module attributes {stable_mosaic.version = 14 : i64} {
  func.func @k(%arg0: i32, %arg1: i32, %arg2: memref<10000x128xf32, #tpu.memory_space<hbm>>, %arg3: memref<158720xi32, #tpu.memory_space<hbm>>, %arg4: memref<158720xi32, #tpu.memory_space<hbm>>, %arg5: memref<158720x128xf32, #tpu.memory_space<hbm>>, %arg6: memref<158720x128xf32, #tpu.memory_space<hbm>>, %arg7: memref<80xi32, #tpu.memory_space<vmem>>, %arg8: memref<80xi32, #tpu.memory_space<vmem>>, %arg9: memref<80x128xf32, #tpu.memory_space<vmem>>, %arg10: memref<80x128xf32, #tpu.memory_space<vmem>>, %arg11: memref<!tpu.dma_semaphore, #tpu.memory_space<semaphore_mem>>, %arg12: memref<!tpu.dma_semaphore, #tpu.memory_space<semaphore_mem>>) attributes {dimension_semantics = [#tpu.dimension_semantics<core_parallel>, #tpu.dimension_semantics<subcore_parallel>], iteration_bounds = array<i64: 2, 16>, scalar_prefetch = 0 : i64, scratch_operands = 6 : i64, tpu.core_type = #tpu.core_type<sc_vector_subcore>, window_params = [{transform_indices = #map}, {transform_indices = #map1}, {transform_indices = #map1}, {transform_indices = #map}, {transform_indices = #map}]} {
    %mul3A = arith.constant 2 : i32
    %mul3A_0 = arith.muli %arg1, %mul3A : i32
    %add3A = arith.addi %mul3A_0, %arg0 : i32
    %mul3A_1 = arith.constant 4960 : i32
    %mul3A_2 = arith.muli %add3A, %mul3A_1 : i32
    %scan3A = arith.constant 0 : i32
    %scan3A_3 = arith.constant 0 : i32
    %scan3A_4 = arith.constant 62 : i32
    %scan3A_5 = arith.addi %scan3A_3, %scan3A_4 : i32
    %scan3A_6 = arith.constant 1 : i32
    scf.for %scan3A_8 = %scan3A_3 to %scan3A_5 step %scan3A_6  : i32 {
      %mul3A_9 = arith.constant 80 : i32
      %mul3A_10 = arith.muli %scan3A_8, %mul3A_9 : i32
      %add3A_11 = arith.addi %mul3A_2, %mul3A_10 : i32
      %multiple_of3A = tpu.assume_multiple %add3A_11, 8 : i32
      "tpu.region"() ({
        %run_scoped3A = tpu.sem_alloc : memref<!tpu.dma_semaphore, #tpu.memory_space<semaphore_mem>>
        %dma_start3A_22 = tpu.memref_slice %arg3[%multiple_of3A] : memref<158720xi32, #tpu.memory_space<hbm>> -> memref<80xi32, #tpu.memory_space<hbm>>
        %dma_start3A_23 = tpu.memref_slice %arg3[%multiple_of3A] : memref<158720xi32, #tpu.memory_space<hbm>> -> memref<80xi32, #tpu.memory_space<hbm>>
        tpu.enqueue_dma source(%dma_start3A_23 : memref<80xi32, #tpu.memory_space<hbm>>) target(%arg7 : memref<80xi32, #tpu.memory_space<vmem>>) target_semaphore(%run_scoped3A : memref<!tpu.dma_semaphore, #tpu.memory_space<semaphore_mem>>)
        %dma_wait3A_24 = tpu.memref_slice %arg3[%multiple_of3A] : memref<158720xi32, #tpu.memory_space<hbm>> -> memref<80xi32, #tpu.memory_space<hbm>>
        %dma_wait3A_25 = tpu.memref_slice %arg3[%multiple_of3A] : memref<158720xi32, #tpu.memory_space<hbm>> -> memref<80xi32, #tpu.memory_space<hbm>>
        tpu.wait_dma2 semaphore(%run_scoped3A : memref<!tpu.dma_semaphore, #tpu.memory_space<semaphore_mem>>) src(%dma_wait3A_25 : memref<80xi32, #tpu.memory_space<hbm>>) dst(%arg7 : memref<80xi32, #tpu.memory_space<vmem>>)
        tpu.yield
      }) : () -> ()
      "tpu.region"() ({
        %run_scoped3A = tpu.sem_alloc : memref<!tpu.dma_semaphore, #tpu.memory_space<semaphore_mem>>
        %dma_start3A_22 = tpu.memref_slice %arg4[%multiple_of3A] : memref<158720xi32, #tpu.memory_space<hbm>> -> memref<80xi32, #tpu.memory_space<hbm>>
        %dma_start3A_23 = tpu.memref_slice %arg4[%multiple_of3A] : memref<158720xi32, #tpu.memory_space<hbm>> -> memref<80xi32, #tpu.memory_space<hbm>>
        tpu.enqueue_dma source(%dma_start3A_23 : memref<80xi32, #tpu.memory_space<hbm>>) target(%arg8 : memref<80xi32, #tpu.memory_space<vmem>>) target_semaphore(%run_scoped3A : memref<!tpu.dma_semaphore, #tpu.memory_space<semaphore_mem>>)
        %dma_wait3A_24 = tpu.memref_slice %arg4[%multiple_of3A] : memref<158720xi32, #tpu.memory_space<hbm>> -> memref<80xi32, #tpu.memory_space<hbm>>
        %dma_wait3A_25 = tpu.memref_slice %arg4[%multiple_of3A] : memref<158720xi32, #tpu.memory_space<hbm>> -> memref<80xi32, #tpu.memory_space<hbm>>
        tpu.wait_dma2 semaphore(%run_scoped3A : memref<!tpu.dma_semaphore, #tpu.memory_space<semaphore_mem>>) src(%dma_wait3A_25 : memref<80xi32, #tpu.memory_space<hbm>>) dst(%arg8 : memref<80xi32, #tpu.memory_space<vmem>>)
        tpu.yield
      }) : () -> ()
      %dma_start3A = arith.constant 0 : i32
      %dma_start3A_12 = arith.constant 0 : i32
      %dma_start3A_13 = tpu.memref_slice %arg2[%dma_start3A, %dma_start3A_12] : memref<10000x128xf32, #tpu.memory_space<hbm>> -> memref<10000x128xf32, #tpu.memory_space<hbm>>
      tpu.enqueue_indirect_dma source(%dma_start3A_13 : memref<10000x128xf32, #tpu.memory_space<hbm>>) target(%arg9 : memref<80x128xf32, #tpu.memory_space<vmem>>) offsets(%arg7 : memref<80xi32, #tpu.memory_space<vmem>>) semaphore(%arg11 : memref<!tpu.dma_semaphore, #tpu.memory_space<semaphore_mem>>)
      %dma_start3A_14 = arith.constant 0 : i32
      %dma_start3A_15 = arith.constant 0 : i32
      %dma_start3A_16 = tpu.memref_slice %arg2[%dma_start3A_14, %dma_start3A_15] : memref<10000x128xf32, #tpu.memory_space<hbm>> -> memref<10000x128xf32, #tpu.memory_space<hbm>>
      tpu.enqueue_indirect_dma source(%dma_start3A_16 : memref<10000x128xf32, #tpu.memory_space<hbm>>) target(%arg10 : memref<80x128xf32, #tpu.memory_space<vmem>>) offsets(%arg8 : memref<80xi32, #tpu.memory_space<vmem>>) semaphore(%arg12 : memref<!tpu.dma_semaphore, #tpu.memory_space<semaphore_mem>>)
      %dma_wait3A = arith.constant 0 : i32
      %dma_wait3A_17 = arith.constant 0 : i32
      %dma_wait3A_18 = tpu.memref_slice %arg2[%dma_wait3A, %dma_wait3A_17] : memref<10000x128xf32, #tpu.memory_space<hbm>> -> memref<10000x128xf32, #tpu.memory_space<hbm>>
      tpu.wait_indirect_dma semaphore(%arg11 : memref<!tpu.dma_semaphore, #tpu.memory_space<semaphore_mem>>) src(%dma_wait3A_18 : memref<10000x128xf32, #tpu.memory_space<hbm>>) dst(%arg9 : memref<80x128xf32, #tpu.memory_space<vmem>>)
      %dma_wait3A_19 = arith.constant 0 : i32
      %dma_wait3A_20 = arith.constant 0 : i32
      %dma_wait3A_21 = tpu.memref_slice %arg2[%dma_wait3A_19, %dma_wait3A_20] : memref<10000x128xf32, #tpu.memory_space<hbm>> -> memref<10000x128xf32, #tpu.memory_space<hbm>>
      tpu.wait_indirect_dma semaphore(%arg12 : memref<!tpu.dma_semaphore, #tpu.memory_space<semaphore_mem>>) src(%dma_wait3A_21 : memref<10000x128xf32, #tpu.memory_space<hbm>>) dst(%arg10 : memref<80x128xf32, #tpu.memory_space<vmem>>)
      "tpu.region"() ({
        %run_scoped3A = tpu.sem_alloc : memref<!tpu.dma_semaphore, #tpu.memory_space<semaphore_mem>>
        %dma_start3A_22 = arith.constant 0 : i32
        %dma_start3A_23 = tpu.memref_slice %arg5[%multiple_of3A, %dma_start3A_22] : memref<158720x128xf32, #tpu.memory_space<hbm>> -> memref<80x128xf32, #tpu.memory_space<hbm>>
        %dma_start3A_24 = arith.constant 0 : i32
        %dma_start3A_25 = tpu.memref_slice %arg5[%multiple_of3A, %dma_start3A_24] : memref<158720x128xf32, #tpu.memory_space<hbm>> -> memref<80x128xf32, #tpu.memory_space<hbm>>
        tpu.enqueue_dma source(%arg9 : memref<80x128xf32, #tpu.memory_space<vmem>>) target(%dma_start3A_25 : memref<80x128xf32, #tpu.memory_space<hbm>>) target_semaphore(%run_scoped3A : memref<!tpu.dma_semaphore, #tpu.memory_space<semaphore_mem>>)
        %dma_wait3A_26 = arith.constant 0 : i32
        %dma_wait3A_27 = tpu.memref_slice %arg5[%multiple_of3A, %dma_wait3A_26] : memref<158720x128xf32, #tpu.memory_space<hbm>> -> memref<80x128xf32, #tpu.memory_space<hbm>>
        %dma_wait3A_28 = arith.constant 0 : i32
        %dma_wait3A_29 = tpu.memref_slice %arg5[%multiple_of3A, %dma_wait3A_28] : memref<158720x128xf32, #tpu.memory_space<hbm>> -> memref<80x128xf32, #tpu.memory_space<hbm>>
        tpu.wait_dma2 semaphore(%run_scoped3A : memref<!tpu.dma_semaphore, #tpu.memory_space<semaphore_mem>>) src(%arg9 : memref<80x128xf32, #tpu.memory_space<vmem>>) dst(%dma_wait3A_29 : memref<80x128xf32, #tpu.memory_space<hbm>>)
        tpu.yield
      }) : () -> ()
      "tpu.region"() ({
        %run_scoped3A = tpu.sem_alloc : memref<!tpu.dma_semaphore, #tpu.memory_space<semaphore_mem>>
        %dma_start3A_22 = arith.constant 0 : i32
        %dma_start3A_23 = tpu.memref_slice %arg6[%multiple_of3A, %dma_start3A_22] : memref<158720x128xf32, #tpu.memory_space<hbm>> -> memref<80x128xf32, #tpu.memory_space<hbm>>
        %dma_start3A_24 = arith.constant 0 : i32
        %dma_start3A_25 = tpu.memref_slice %arg6[%multiple_of3A, %dma_start3A_24] : memref<158720x128xf32, #tpu.memory_space<hbm>> -> memref<80x128xf32, #tpu.memory_space<hbm>>
        tpu.enqueue_dma source(%arg10 : memref<80x128xf32, #tpu.memory_space<vmem>>) target(%dma_start3A_25 : memref<80x128xf32, #tpu.memory_space<hbm>>) target_semaphore(%run_scoped3A : memref<!tpu.dma_semaphore, #tpu.memory_space<semaphore_mem>>)
        %dma_wait3A_26 = arith.constant 0 : i32
        %dma_wait3A_27 = tpu.memref_slice %arg6[%multiple_of3A, %dma_wait3A_26] : memref<158720x128xf32, #tpu.memory_space<hbm>> -> memref<80x128xf32, #tpu.memory_space<hbm>>
        %dma_wait3A_28 = arith.constant 0 : i32
        %dma_wait3A_29 = tpu.memref_slice %arg6[%multiple_of3A, %dma_wait3A_28] : memref<158720x128xf32, #tpu.memory_space<hbm>> -> memref<80x128xf32, #tpu.memory_space<hbm>>
        tpu.wait_dma2 semaphore(%run_scoped3A : memref<!tpu.dma_semaphore, #tpu.memory_space<semaphore_mem>>) src(%arg10 : memref<80x128xf32, #tpu.memory_space<vmem>>) dst(%dma_wait3A_29 : memref<80x128xf32, #tpu.memory_space<hbm>>)
        tpu.yield
      }) : () -> ()
    }
    %scan3A_7 = arith.constant 62 : i32
    return
  }
}

module attributes {stable_mosaic.version = 14 : i64} {
  func.func @body(%arg0: i32, %arg1: memref<4032x128xf32, #tpu.memory_space<vmem>>, %arg2: memref<4032x128xf32, #tpu.memory_space<vmem>>, %arg3: memref<4032x16xf32, #tpu.memory_space<vmem>>, %arg4: memref<4032x16xf32, #tpu.memory_space<vmem>>, %arg5: memref<128x128xbf16, #tpu.memory_space<vmem>>, %arg6: memref<128x128xbf16, #tpu.memory_space<vmem>>, %arg7: memref<16x128xbf16, #tpu.memory_space<vmem>>, %arg8: memref<16x128xbf16, #tpu.memory_space<vmem>>, %arg9: memref<1x128xf32, #tpu.memory_space<vmem>>, %arg10: memref<128x128xbf16, #tpu.memory_space<vmem>>, %arg11: memref<1x128xf32, #tpu.memory_space<vmem>>, %arg12: memref<128x32xbf16, #tpu.memory_space<vmem>>, %arg13: memref<1x32xf32, #tpu.memory_space<vmem>>, %arg14: memref<128x128xbf16, #tpu.memory_space<vmem>>, %arg15: memref<16x128xbf16, #tpu.memory_space<vmem>>, %arg16: memref<16x128xbf16, #tpu.memory_space<vmem>>, %arg17: memref<32x128xbf16, #tpu.memory_space<vmem>>, %arg18: memref<1x128xf32, #tpu.memory_space<vmem>>, %arg19: memref<128x128xbf16, #tpu.memory_space<vmem>>, %arg20: memref<1x128xf32, #tpu.memory_space<vmem>>, %arg21: memref<4032x128xf32, #tpu.memory_space<vmem>>) attributes {dimension_semantics = [#tpu.dimension_semantics<arbitrary>], iteration_bounds = array<i64: 40>, scalar_prefetch = 0 : i64, scratch_operands = 0 : i64, tpu.core_type = #tpu.core_type<tc>, window_params = [{transform_indices = @transform_0, window_bounds = array<i64: 4032, 128>}, {transform_indices = @transform_1, window_bounds = array<i64: 4032, 128>}, {transform_indices = @transform_2, window_bounds = array<i64: 4032, 16>}, {transform_indices = @transform_3, window_bounds = array<i64: 4032, 16>}, {pipeline_mode = #tpu.pipeline_mode<synchronous>, transform_indices = @transform_4, window_bounds = array<i64: 128, 128>}, {pipeline_mode = #tpu.pipeline_mode<synchronous>, transform_indices = @transform_5, window_bounds = array<i64: 128, 128>}, {pipeline_mode = #tpu.pipeline_mode<synchronous>, transform_indices = @transform_6, window_bounds = array<i64: 16, 128>}, {pipeline_mode = #tpu.pipeline_mode<synchronous>, transform_indices = @transform_7, window_bounds = array<i64: 16, 128>}, {pipeline_mode = #tpu.pipeline_mode<synchronous>, transform_indices = @transform_8, window_bounds = array<i64: 1, 128>}, {pipeline_mode = #tpu.pipeline_mode<synchronous>, transform_indices = @transform_9, window_bounds = array<i64: 128, 128>}, {pipeline_mode = #tpu.pipeline_mode<synchronous>, transform_indices = @transform_10, window_bounds = array<i64: 1, 128>}, {pipeline_mode = #tpu.pipeline_mode<synchronous>, transform_indices = @transform_11, window_bounds = array<i64: 128, 32>}, {pipeline_mode = #tpu.pipeline_mode<synchronous>, transform_indices = @transform_12, window_bounds = array<i64: 1, 32>}, {pipeline_mode = #tpu.pipeline_mode<synchronous>, transform_indices = @transform_13, window_bounds = array<i64: 128, 128>}, {pipeline_mode = #tpu.pipeline_mode<synchronous>, transform_indices = @transform_14, window_bounds = array<i64: 16, 128>}, {pipeline_mode = #tpu.pipeline_mode<synchronous>, transform_indices = @transform_15, window_bounds = array<i64: 16, 128>}, {pipeline_mode = #tpu.pipeline_mode<synchronous>, transform_indices = @transform_16, window_bounds = array<i64: 32, 128>}, {pipeline_mode = #tpu.pipeline_mode<synchronous>, transform_indices = @transform_17, window_bounds = array<i64: 1, 128>}, {pipeline_mode = #tpu.pipeline_mode<synchronous>, transform_indices = @transform_18, window_bounds = array<i64: 128, 128>}, {pipeline_mode = #tpu.pipeline_mode<synchronous>, transform_indices = @transform_19, window_bounds = array<i64: 1, 128>}, {transform_indices = @transform_20, window_bounds = array<i64: 4032, 128>}]} {
    %get3A = arith.constant 0 : index
    %get3A_0 = arith.constant 0 : index
    %get3A_1 = vector.load %arg1[%get3A, %get3A_0] : memref<4032x128xf32, #tpu.memory_space<vmem>>, vector<4032x128xf32>
    %convert_element_type3A = arith.truncf %get3A_1 : vector<4032x128xf32> to vector<4032x128xbf16>
    %get3A_2 = arith.constant 0 : index
    %get3A_3 = arith.constant 0 : index
    %get3A_4 = vector.load %arg2[%get3A_2, %get3A_3] : memref<4032x128xf32, #tpu.memory_space<vmem>>, vector<4032x128xf32>
    %convert_element_type3A_5 = arith.truncf %get3A_4 : vector<4032x128xf32> to vector<4032x128xbf16>
    %get3A_6 = arith.constant 0 : index
    %get3A_7 = arith.constant 0 : index
    %get3A_8 = vector.load %arg3[%get3A_6, %get3A_7] : memref<4032x16xf32, #tpu.memory_space<vmem>>, vector<4032x16xf32>
    %convert_element_type3A_9 = arith.truncf %get3A_8 : vector<4032x16xf32> to vector<4032x16xbf16>
    %get3A_10 = arith.constant 0 : index
    %get3A_11 = arith.constant 0 : index
    %get3A_12 = vector.load %arg4[%get3A_10, %get3A_11] : memref<4032x16xf32, #tpu.memory_space<vmem>>, vector<4032x16xf32>
    %convert_element_type3A_13 = arith.truncf %get3A_12 : vector<4032x16xf32> to vector<4032x16xbf16>
    %get3A_14 = arith.constant 0 : index
    %get3A_15 = arith.constant 0 : index
    %get3A_16 = vector.load %arg5[%get3A_14, %get3A_15] : memref<128x128xbf16, #tpu.memory_space<vmem>>, vector<128x128xbf16>
    %dot_general3A = arith.constant dense<0.000000e+00> : vector<4032x128xf32>
    %dot_general3A_17 = tpu.matmul %convert_element_type3A, %get3A_16, %dot_general3A {dimension_numbers = #tpu.dot_dimension_numbers<[1], [0], [0], [1], [0, 0, 1, 1], [], []>, transpose_lhs_hint = false} : vector<4032x128xbf16>, vector<128x128xbf16>, vector<4032x128xf32> -> vector<4032x128xf32>
    %get3A_18 = arith.constant 0 : index
    %get3A_19 = arith.constant 0 : index
    %get3A_20 = vector.load %arg6[%get3A_18, %get3A_19] : memref<128x128xbf16, #tpu.memory_space<vmem>>, vector<128x128xbf16>
    %dot_general3A_21 = arith.constant dense<0.000000e+00> : vector<4032x128xf32>
    %dot_general3A_22 = tpu.matmul %convert_element_type3A_5, %get3A_20, %dot_general3A_21 {dimension_numbers = #tpu.dot_dimension_numbers<[1], [0], [0], [1], [0, 0, 1, 1], [], []>, transpose_lhs_hint = false} : vector<4032x128xbf16>, vector<128x128xbf16>, vector<4032x128xf32> -> vector<4032x128xf32>
    %add3A = arith.addf %dot_general3A_17, %dot_general3A_22 : vector<4032x128xf32>
    %get3A_23 = arith.constant 0 : index
    %get3A_24 = arith.constant 0 : index
    %get3A_25 = vector.load %arg7[%get3A_23, %get3A_24] : memref<16x128xbf16, #tpu.memory_space<vmem>>, vector<16x128xbf16>
    %dot_general3A_26 = arith.constant dense<0.000000e+00> : vector<4032x128xf32>
    %dot_general3A_27 = tpu.matmul %convert_element_type3A_9, %get3A_25, %dot_general3A_26 {dimension_numbers = #tpu.dot_dimension_numbers<[1], [0], [0], [1], [0, 0, 1, 1], [], []>, transpose_lhs_hint = false} : vector<4032x16xbf16>, vector<16x128xbf16>, vector<4032x128xf32> -> vector<4032x128xf32>
    %add3A_28 = arith.addf %add3A, %dot_general3A_27 : vector<4032x128xf32>
    %get3A_29 = arith.constant 0 : index
    %get3A_30 = arith.constant 0 : index
    %get3A_31 = vector.load %arg8[%get3A_29, %get3A_30] : memref<16x128xbf16, #tpu.memory_space<vmem>>, vector<16x128xbf16>
    %dot_general3A_32 = arith.constant dense<0.000000e+00> : vector<4032x128xf32>
    %dot_general3A_33 = tpu.matmul %convert_element_type3A_13, %get3A_31, %dot_general3A_32 {dimension_numbers = #tpu.dot_dimension_numbers<[1], [0], [0], [1], [0, 0, 1, 1], [], []>, transpose_lhs_hint = false} : vector<4032x16xbf16>, vector<16x128xbf16>, vector<4032x128xf32> -> vector<4032x128xf32>
    %add3A_34 = arith.addf %add3A_28, %dot_general3A_33 : vector<4032x128xf32>
    %get3A_35 = arith.constant 0 : index
    %get3A_36 = arith.constant 0 : index
    %get3A_37 = vector.load %arg9[%get3A_35, %get3A_36] : memref<1x128xf32, #tpu.memory_space<vmem>>, vector<1x128xf32>
    %add3A_38 = vector.broadcast %get3A_37 : vector<1x128xf32> to vector<4032x128xf32>
    %add3A_39 = arith.addf %add3A_34, %add3A_38 : vector<4032x128xf32>
    %logistic3A = arith.negf %add3A_39 : vector<4032x128xf32>
    %logistic3A_40 = math.exp %logistic3A : vector<4032x128xf32>
    %logistic3A_41 = arith.constant 1.000000e+00 : f32
    %logistic3A_42 = vector.broadcast %logistic3A_41 : f32 to vector<4032x128xf32>
    %logistic3A_43 = arith.addf %logistic3A_42, %logistic3A_40 : vector<4032x128xf32>
    %logistic3A_44 = arith.divf %logistic3A_42, %logistic3A_43 : vector<4032x128xf32>
    %mul3A = arith.mulf %add3A_39, %logistic3A_44 : vector<4032x128xf32>
    %convert_element_type3A_45 = arith.truncf %mul3A : vector<4032x128xf32> to vector<4032x128xbf16>
    %get3A_46 = arith.constant 0 : index
    %get3A_47 = arith.constant 0 : index
    %get3A_48 = vector.load %arg10[%get3A_46, %get3A_47] : memref<128x128xbf16, #tpu.memory_space<vmem>>, vector<128x128xbf16>
    %dot_general3A_49 = arith.constant dense<0.000000e+00> : vector<4032x128xf32>
    %dot_general3A_50 = tpu.matmul %convert_element_type3A_45, %get3A_48, %dot_general3A_49 {dimension_numbers = #tpu.dot_dimension_numbers<[1], [0], [0], [1], [0, 0, 1, 1], [], []>, transpose_lhs_hint = false} : vector<4032x128xbf16>, vector<128x128xbf16>, vector<4032x128xf32> -> vector<4032x128xf32>
    %get3A_51 = arith.constant 0 : index
    %get3A_52 = arith.constant 0 : index
    %get3A_53 = vector.load %arg11[%get3A_51, %get3A_52] : memref<1x128xf32, #tpu.memory_space<vmem>>, vector<1x128xf32>
    %add3A_54 = vector.broadcast %get3A_53 : vector<1x128xf32> to vector<4032x128xf32>
    %add3A_55 = arith.addf %dot_general3A_50, %add3A_54 : vector<4032x128xf32>
    %logistic3A_56 = arith.negf %add3A_55 : vector<4032x128xf32>
    %logistic3A_57 = math.exp %logistic3A_56 : vector<4032x128xf32>
    %logistic3A_58 = arith.constant 1.000000e+00 : f32
    %logistic3A_59 = vector.broadcast %logistic3A_58 : f32 to vector<4032x128xf32>
    %logistic3A_60 = arith.addf %logistic3A_59, %logistic3A_57 : vector<4032x128xf32>
    %logistic3A_61 = arith.divf %logistic3A_59, %logistic3A_60 : vector<4032x128xf32>
    %mul3A_62 = arith.mulf %add3A_55, %logistic3A_61 : vector<4032x128xf32>
    %convert_element_type3A_63 = arith.truncf %mul3A_62 : vector<4032x128xf32> to vector<4032x128xbf16>
    %get3A_64 = arith.constant 0 : index
    %get3A_65 = arith.constant 0 : index
    %get3A_66 = vector.load %arg12[%get3A_64, %get3A_65] : memref<128x32xbf16, #tpu.memory_space<vmem>>, vector<128x32xbf16>
    %dot_general3A_67 = arith.constant dense<0.000000e+00> : vector<4032x32xf32>
    %dot_general3A_68 = tpu.matmul %convert_element_type3A_63, %get3A_66, %dot_general3A_67 {dimension_numbers = #tpu.dot_dimension_numbers<[1], [0], [0], [1], [0, 0, 1, 1], [], []>, transpose_lhs_hint = false} : vector<4032x128xbf16>, vector<128x32xbf16>, vector<4032x32xf32> -> vector<4032x32xf32>
    %get3A_69 = arith.constant 0 : index
    %get3A_70 = arith.constant 0 : index
    %get3A_71 = vector.load %arg13[%get3A_69, %get3A_70] : memref<1x32xf32, #tpu.memory_space<vmem>>, vector<1x32xf32>
    %add3A_72 = vector.broadcast %get3A_71 : vector<1x32xf32> to vector<4032x32xf32>
    %add3A_73 = arith.addf %dot_general3A_68, %add3A_72 : vector<4032x32xf32>
    %get3A_74 = arith.constant 0 : index
    %get3A_75 = arith.constant 0 : index
    %get3A_76 = vector.load %arg14[%get3A_74, %get3A_75] : memref<128x128xbf16, #tpu.memory_space<vmem>>, vector<128x128xbf16>
    %dot_general3A_77 = arith.constant dense<0.000000e+00> : vector<4032x128xf32>
    %dot_general3A_78 = tpu.matmul %convert_element_type3A_5, %get3A_76, %dot_general3A_77 {dimension_numbers = #tpu.dot_dimension_numbers<[1], [0], [0], [1], [0, 0, 1, 1], [], []>, transpose_lhs_hint = false} : vector<4032x128xbf16>, vector<128x128xbf16>, vector<4032x128xf32> -> vector<4032x128xf32>
    %convert_element_type3A_79 = arith.truncf %add3A_73 : vector<4032x32xf32> to vector<4032x32xbf16>
    %get3A_80 = arith.constant 0 : index
    %get3A_81 = arith.constant 0 : index
    %get3A_82 = vector.load %arg17[%get3A_80, %get3A_81] : memref<32x128xbf16, #tpu.memory_space<vmem>>, vector<32x128xbf16>
    %dot_general3A_83 = arith.constant dense<0.000000e+00> : vector<4032x128xf32>
    %dot_general3A_84 = tpu.matmul %convert_element_type3A_79, %get3A_82, %dot_general3A_83 {dimension_numbers = #tpu.dot_dimension_numbers<[1], [0], [0], [1], [0, 0, 1, 1], [], []>, transpose_lhs_hint = false} : vector<4032x32xbf16>, vector<32x128xbf16>, vector<4032x128xf32> -> vector<4032x128xf32>
    %add3A_85 = arith.addf %dot_general3A_78, %dot_general3A_84 : vector<4032x128xf32>
    %get3A_86 = arith.constant 0 : index
    %get3A_87 = arith.constant 0 : index
    %get3A_88 = vector.load %arg15[%get3A_86, %get3A_87] : memref<16x128xbf16, #tpu.memory_space<vmem>>, vector<16x128xbf16>
    %dot_general3A_89 = arith.constant dense<0.000000e+00> : vector<4032x128xf32>
    %dot_general3A_90 = tpu.matmul %convert_element_type3A_9, %get3A_88, %dot_general3A_89 {dimension_numbers = #tpu.dot_dimension_numbers<[1], [0], [0], [1], [0, 0, 1, 1], [], []>, transpose_lhs_hint = false} : vector<4032x16xbf16>, vector<16x128xbf16>, vector<4032x128xf32> -> vector<4032x128xf32>
    %add3A_91 = arith.addf %add3A_85, %dot_general3A_90 : vector<4032x128xf32>
    %get3A_92 = arith.constant 0 : index
    %get3A_93 = arith.constant 0 : index
    %get3A_94 = vector.load %arg16[%get3A_92, %get3A_93] : memref<16x128xbf16, #tpu.memory_space<vmem>>, vector<16x128xbf16>
    %dot_general3A_95 = arith.constant dense<0.000000e+00> : vector<4032x128xf32>
    %dot_general3A_96 = tpu.matmul %convert_element_type3A_13, %get3A_94, %dot_general3A_95 {dimension_numbers = #tpu.dot_dimension_numbers<[1], [0], [0], [1], [0, 0, 1, 1], [], []>, transpose_lhs_hint = false} : vector<4032x16xbf16>, vector<16x128xbf16>, vector<4032x128xf32> -> vector<4032x128xf32>
    %add3A_97 = arith.addf %add3A_91, %dot_general3A_96 : vector<4032x128xf32>
    %get3A_98 = arith.constant 0 : index
    %get3A_99 = arith.constant 0 : index
    %get3A_100 = vector.load %arg18[%get3A_98, %get3A_99] : memref<1x128xf32, #tpu.memory_space<vmem>>, vector<1x128xf32>
    %add3A_101 = vector.broadcast %get3A_100 : vector<1x128xf32> to vector<4032x128xf32>
    %add3A_102 = arith.addf %add3A_97, %add3A_101 : vector<4032x128xf32>
    %logistic3A_103 = arith.negf %add3A_102 : vector<4032x128xf32>
    %logistic3A_104 = math.exp %logistic3A_103 : vector<4032x128xf32>
    %logistic3A_105 = arith.constant 1.000000e+00 : f32
    %logistic3A_106 = vector.broadcast %logistic3A_105 : f32 to vector<4032x128xf32>
    %logistic3A_107 = arith.addf %logistic3A_106, %logistic3A_104 : vector<4032x128xf32>
    %logistic3A_108 = arith.divf %logistic3A_106, %logistic3A_107 : vector<4032x128xf32>
    %mul3A_109 = arith.mulf %add3A_102, %logistic3A_108 : vector<4032x128xf32>
    %convert_element_type3A_110 = arith.truncf %mul3A_109 : vector<4032x128xf32> to vector<4032x128xbf16>
    %get3A_111 = arith.constant 0 : index
    %get3A_112 = arith.constant 0 : index
    %get3A_113 = vector.load %arg19[%get3A_111, %get3A_112] : memref<128x128xbf16, #tpu.memory_space<vmem>>, vector<128x128xbf16>
    %dot_general3A_114 = arith.constant dense<0.000000e+00> : vector<4032x128xf32>
    %dot_general3A_115 = tpu.matmul %convert_element_type3A_110, %get3A_113, %dot_general3A_114 {dimension_numbers = #tpu.dot_dimension_numbers<[1], [0], [0], [1], [0, 0, 1, 1], [], []>, transpose_lhs_hint = false} : vector<4032x128xbf16>, vector<128x128xbf16>, vector<4032x128xf32> -> vector<4032x128xf32>
    %get3A_116 = arith.constant 0 : index
    %get3A_117 = arith.constant 0 : index
    %get3A_118 = vector.load %arg20[%get3A_116, %get3A_117] : memref<1x128xf32, #tpu.memory_space<vmem>>, vector<1x128xf32>
    %add3A_119 = vector.broadcast %get3A_118 : vector<1x128xf32> to vector<4032x128xf32>
    %add3A_120 = arith.addf %dot_general3A_115, %add3A_119 : vector<4032x128xf32>
    %swap3A = arith.constant 0 : index
    %swap3A_121 = arith.constant 0 : index
    %swap3A_122 = vector.load %arg21[%swap3A, %swap3A_121] : memref<4032x128xf32, #tpu.memory_space<vmem>>, vector<4032x128xf32>
    tpu.vector_store %arg21[%swap3A, %swap3A_121], %add3A_120 {strides = array<i32>} : memref<4032x128xf32, #tpu.memory_space<vmem>>, vector<4032x128xf32>,
    return
  }
  func.func @transform_0(%arg0: i32) -> (i32, i32) {
    %c0_i32 = arith.constant 0 : i32
    %c0_i32_0 = arith.constant 0 : i32
    return %arg0, %c0_i32 : i32, i32
  }
  func.func @transform_1(%arg0: i32) -> (i32, i32) {
    %c0_i32 = arith.constant 0 : i32
    %c0_i32_0 = arith.constant 0 : i32
    return %arg0, %c0_i32 : i32, i32
  }
  func.func @transform_2(%arg0: i32) -> (i32, i32) {
    %c0_i32 = arith.constant 0 : i32
    %c0_i32_0 = arith.constant 0 : i32
    return %arg0, %c0_i32 : i32, i32
  }
  func.func @transform_3(%arg0: i32) -> (i32, i32) {
    %c0_i32 = arith.constant 0 : i32
    %c0_i32_0 = arith.constant 0 : i32
    return %arg0, %c0_i32 : i32, i32
  }
  func.func @transform_4(%arg0: i32) -> (i32, i32) {
    %c0_i32 = arith.constant 0 : i32
    %c0_i32_0 = arith.constant 0 : i32
    %c0_i32_1 = arith.constant 0 : i32
    return %c0_i32, %c0_i32_0 : i32, i32
  }
  func.func @transform_5(%arg0: i32) -> (i32, i32) {
    %c0_i32 = arith.constant 0 : i32
    %c0_i32_0 = arith.constant 0 : i32
    %c0_i32_1 = arith.constant 0 : i32
    return %c0_i32, %c0_i32_0 : i32, i32
  }
  func.func @transform_6(%arg0: i32) -> (i32, i32) {
    %c0_i32 = arith.constant 0 : i32
    %c0_i32_0 = arith.constant 0 : i32
    %c0_i32_1 = arith.constant 0 : i32
    return %c0_i32, %c0_i32_0 : i32, i32
  }
  func.func @transform_7(%arg0: i32) -> (i32, i32) {
    %c0_i32 = arith.constant 0 : i32
    %c0_i32_0 = arith.constant 0 : i32
    %c0_i32_1 = arith.constant 0 : i32
    return %c0_i32, %c0_i32_0 : i32, i32
  }
  func.func @transform_8(%arg0: i32) -> (i32, i32) {
    %c0_i32 = arith.constant 0 : i32
    %c0_i32_0 = arith.constant 0 : i32
    %c0_i32_1 = arith.constant 0 : i32
    return %c0_i32, %c0_i32_0 : i32, i32
  }
  func.func @transform_9(%arg0: i32) -> (i32, i32) {
    %c0_i32 = arith.constant 0 : i32
    %c0_i32_0 = arith.constant 0 : i32
    %c0_i32_1 = arith.constant 0 : i32
    return %c0_i32, %c0_i32_0 : i32, i32
  }
  func.func @transform_10(%arg0: i32) -> (i32, i32) {
    %c0_i32 = arith.constant 0 : i32
    %c0_i32_0 = arith.constant 0 : i32
    %c0_i32_1 = arith.constant 0 : i32
    return %c0_i32, %c0_i32_0 : i32, i32
  }
  func.func @transform_11(%arg0: i32) -> (i32, i32) {
    %c0_i32 = arith.constant 0 : i32
    %c0_i32_0 = arith.constant 0 : i32
    %c0_i32_1 = arith.constant 0 : i32
    return %c0_i32, %c0_i32_0 : i32, i32
  }
  func.func @transform_12(%arg0: i32) -> (i32, i32) {
    %c0_i32 = arith.constant 0 : i32
    %c0_i32_0 = arith.constant 0 : i32
    %c0_i32_1 = arith.constant 0 : i32
    return %c0_i32, %c0_i32_0 : i32, i32
  }
  func.func @transform_13(%arg0: i32) -> (i32, i32) {
    %c0_i32 = arith.constant 0 : i32
    %c0_i32_0 = arith.constant 0 : i32
    %c0_i32_1 = arith.constant 0 : i32
    return %c0_i32, %c0_i32_0 : i32, i32
  }
  func.func @transform_14(%arg0: i32) -> (i32, i32) {
    %c0_i32 = arith.constant 0 : i32
    %c0_i32_0 = arith.constant 0 : i32
    %c0_i32_1 = arith.constant 0 : i32
    return %c0_i32, %c0_i32_0 : i32, i32
  }
  func.func @transform_15(%arg0: i32) -> (i32, i32) {
    %c0_i32 = arith.constant 0 : i32
    %c0_i32_0 = arith.constant 0 : i32
    %c0_i32_1 = arith.constant 0 : i32
    return %c0_i32, %c0_i32_0 : i32, i32
  }
  func.func @transform_16(%arg0: i32) -> (i32, i32) {
    %c0_i32 = arith.constant 0 : i32
    %c0_i32_0 = arith.constant 0 : i32
    %c0_i32_1 = arith.constant 0 : i32
    return %c0_i32, %c0_i32_0 : i32, i32
  }
  func.func @transform_17(%arg0: i32) -> (i32, i32) {
    %c0_i32 = arith.constant 0 : i32
    %c0_i32_0 = arith.constant 0 : i32
    %c0_i32_1 = arith.constant 0 : i32
    return %c0_i32, %c0_i32_0 : i32, i32
  }
  func.func @transform_18(%arg0: i32) -> (i32, i32) {
    %c0_i32 = arith.constant 0 : i32
    %c0_i32_0 = arith.constant 0 : i32
    %c0_i32_1 = arith.constant 0 : i32
    return %c0_i32, %c0_i32_0 : i32, i32
  }
  func.func @transform_19(%arg0: i32) -> (i32, i32) {
    %c0_i32 = arith.constant 0 : i32
    %c0_i32_0 = arith.constant 0 : i32
    %c0_i32_1 = arith.constant 0 : i32
    return %c0_i32, %c0_i32_0 : i32, i32
  }
  func.func @transform_20(%arg0: i32) -> (i32, i32) {
    %c0_i32 = arith.constant 0 : i32
    %c0_i32_0 = arith.constant 0 : i32
    return %arg0, %c0_i32 : i32, i32
  }
}

module attributes {stable_mosaic.version = 14 : i64} {
  func.func @body(%arg0: i32, %arg1: memref<3968x128xf32, #tpu.memory_space<vmem>>, %arg2: memref<3968x128xf32, #tpu.memory_space<vmem>>, %arg3: memref<3968x16xf32, #tpu.memory_space<vmem>>, %arg4: memref<3968x16xf32, #tpu.memory_space<vmem>>, %arg5: memref<128x128xbf16, #tpu.memory_space<vmem>>, %arg6: memref<128x128xbf16, #tpu.memory_space<vmem>>, %arg7: memref<16x128xbf16, #tpu.memory_space<vmem>>, %arg8: memref<16x128xbf16, #tpu.memory_space<vmem>>, %arg9: memref<1x128xf32, #tpu.memory_space<vmem>>, %arg10: memref<128x128xbf16, #tpu.memory_space<vmem>>, %arg11: memref<1x128xf32, #tpu.memory_space<vmem>>, %arg12: memref<128x32xbf16, #tpu.memory_space<vmem>>, %arg13: memref<1x32xf32, #tpu.memory_space<vmem>>, %arg14: memref<128x128xbf16, #tpu.memory_space<vmem>>, %arg15: memref<16x128xbf16, #tpu.memory_space<vmem>>, %arg16: memref<16x128xbf16, #tpu.memory_space<vmem>>, %arg17: memref<32x128xbf16, #tpu.memory_space<vmem>>, %arg18: memref<1x128xf32, #tpu.memory_space<vmem>>, %arg19: memref<128x128xbf16, #tpu.memory_space<vmem>>, %arg20: memref<1x128xf32, #tpu.memory_space<vmem>>, %arg21: memref<3968x128xf32, #tpu.memory_space<vmem>>) attributes {dimension_semantics = [#tpu.dimension_semantics<arbitrary>], iteration_bounds = array<i64: 40>, scalar_prefetch = 0 : i64, scratch_operands = 0 : i64, tpu.core_type = #tpu.core_type<tc>, window_params = [{transform_indices = @transform_0, window_bounds = array<i64: 3968, 128>}, {transform_indices = @transform_1, window_bounds = array<i64: 3968, 128>}, {transform_indices = @transform_2, window_bounds = array<i64: 3968, 16>}, {transform_indices = @transform_3, window_bounds = array<i64: 3968, 16>}, {pipeline_mode = #tpu.pipeline_mode<synchronous>, transform_indices = @transform_4, window_bounds = array<i64: 128, 128>}, {pipeline_mode = #tpu.pipeline_mode<synchronous>, transform_indices = @transform_5, window_bounds = array<i64: 128, 128>}, {pipeline_mode = #tpu.pipeline_mode<synchronous>, transform_indices = @transform_6, window_bounds = array<i64: 16, 128>}, {pipeline_mode = #tpu.pipeline_mode<synchronous>, transform_indices = @transform_7, window_bounds = array<i64: 16, 128>}, {pipeline_mode = #tpu.pipeline_mode<synchronous>, transform_indices = @transform_8, window_bounds = array<i64: 1, 128>}, {pipeline_mode = #tpu.pipeline_mode<synchronous>, transform_indices = @transform_9, window_bounds = array<i64: 128, 128>}, {pipeline_mode = #tpu.pipeline_mode<synchronous>, transform_indices = @transform_10, window_bounds = array<i64: 1, 128>}, {pipeline_mode = #tpu.pipeline_mode<synchronous>, transform_indices = @transform_11, window_bounds = array<i64: 128, 32>}, {pipeline_mode = #tpu.pipeline_mode<synchronous>, transform_indices = @transform_12, window_bounds = array<i64: 1, 32>}, {pipeline_mode = #tpu.pipeline_mode<synchronous>, transform_indices = @transform_13, window_bounds = array<i64: 128, 128>}, {pipeline_mode = #tpu.pipeline_mode<synchronous>, transform_indices = @transform_14, window_bounds = array<i64: 16, 128>}, {pipeline_mode = #tpu.pipeline_mode<synchronous>, transform_indices = @transform_15, window_bounds = array<i64: 16, 128>}, {pipeline_mode = #tpu.pipeline_mode<synchronous>, transform_indices = @transform_16, window_bounds = array<i64: 32, 128>}, {pipeline_mode = #tpu.pipeline_mode<synchronous>, transform_indices = @transform_17, window_bounds = array<i64: 1, 128>}, {pipeline_mode = #tpu.pipeline_mode<synchronous>, transform_indices = @transform_18, window_bounds = array<i64: 128, 128>}, {pipeline_mode = #tpu.pipeline_mode<synchronous>, transform_indices = @transform_19, window_bounds = array<i64: 1, 128>}, {transform_indices = @transform_20, window_bounds = array<i64: 3968, 128>}]} {
    %get3A = arith.constant 0 : index
    %get3A_0 = arith.constant 0 : index
    %get3A_1 = vector.load %arg1[%get3A, %get3A_0] : memref<3968x128xf32, #tpu.memory_space<vmem>>, vector<3968x128xf32>
    %convert_element_type3A = arith.truncf %get3A_1 : vector<3968x128xf32> to vector<3968x128xbf16>
    %get3A_2 = arith.constant 0 : index
    %get3A_3 = arith.constant 0 : index
    %get3A_4 = vector.load %arg2[%get3A_2, %get3A_3] : memref<3968x128xf32, #tpu.memory_space<vmem>>, vector<3968x128xf32>
    %convert_element_type3A_5 = arith.truncf %get3A_4 : vector<3968x128xf32> to vector<3968x128xbf16>
    %get3A_6 = arith.constant 0 : index
    %get3A_7 = arith.constant 0 : index
    %get3A_8 = vector.load %arg3[%get3A_6, %get3A_7] : memref<3968x16xf32, #tpu.memory_space<vmem>>, vector<3968x16xf32>
    %convert_element_type3A_9 = arith.truncf %get3A_8 : vector<3968x16xf32> to vector<3968x16xbf16>
    %get3A_10 = arith.constant 0 : index
    %get3A_11 = arith.constant 0 : index
    %get3A_12 = vector.load %arg4[%get3A_10, %get3A_11] : memref<3968x16xf32, #tpu.memory_space<vmem>>, vector<3968x16xf32>
    %convert_element_type3A_13 = arith.truncf %get3A_12 : vector<3968x16xf32> to vector<3968x16xbf16>
    %get3A_14 = arith.constant 0 : index
    %get3A_15 = arith.constant 0 : index
    %get3A_16 = vector.load %arg5[%get3A_14, %get3A_15] : memref<128x128xbf16, #tpu.memory_space<vmem>>, vector<128x128xbf16>
    %dot_general3A = arith.constant dense<0.000000e+00> : vector<3968x128xf32>
    %dot_general3A_17 = tpu.matmul %convert_element_type3A, %get3A_16, %dot_general3A {dimension_numbers = #tpu.dot_dimension_numbers<[1], [0], [0], [1], [0, 0, 1, 1], [], []>, transpose_lhs_hint = false} : vector<3968x128xbf16>, vector<128x128xbf16>, vector<3968x128xf32> -> vector<3968x128xf32>
    %get3A_18 = arith.constant 0 : index
    %get3A_19 = arith.constant 0 : index
    %get3A_20 = vector.load %arg6[%get3A_18, %get3A_19] : memref<128x128xbf16, #tpu.memory_space<vmem>>, vector<128x128xbf16>
    %dot_general3A_21 = arith.constant dense<0.000000e+00> : vector<3968x128xf32>
    %dot_general3A_22 = tpu.matmul %convert_element_type3A_5, %get3A_20, %dot_general3A_21 {dimension_numbers = #tpu.dot_dimension_numbers<[1], [0], [0], [1], [0, 0, 1, 1], [], []>, transpose_lhs_hint = false} : vector<3968x128xbf16>, vector<128x128xbf16>, vector<3968x128xf32> -> vector<3968x128xf32>
    %add3A = arith.addf %dot_general3A_17, %dot_general3A_22 : vector<3968x128xf32>
    %get3A_23 = arith.constant 0 : index
    %get3A_24 = arith.constant 0 : index
    %get3A_25 = vector.load %arg7[%get3A_23, %get3A_24] : memref<16x128xbf16, #tpu.memory_space<vmem>>, vector<16x128xbf16>
    %dot_general3A_26 = arith.constant dense<0.000000e+00> : vector<3968x128xf32>
    %dot_general3A_27 = tpu.matmul %convert_element_type3A_9, %get3A_25, %dot_general3A_26 {dimension_numbers = #tpu.dot_dimension_numbers<[1], [0], [0], [1], [0, 0, 1, 1], [], []>, transpose_lhs_hint = false} : vector<3968x16xbf16>, vector<16x128xbf16>, vector<3968x128xf32> -> vector<3968x128xf32>
    %add3A_28 = arith.addf %add3A, %dot_general3A_27 : vector<3968x128xf32>
    %get3A_29 = arith.constant 0 : index
    %get3A_30 = arith.constant 0 : index
    %get3A_31 = vector.load %arg8[%get3A_29, %get3A_30] : memref<16x128xbf16, #tpu.memory_space<vmem>>, vector<16x128xbf16>
    %dot_general3A_32 = arith.constant dense<0.000000e+00> : vector<3968x128xf32>
    %dot_general3A_33 = tpu.matmul %convert_element_type3A_13, %get3A_31, %dot_general3A_32 {dimension_numbers = #tpu.dot_dimension_numbers<[1], [0], [0], [1], [0, 0, 1, 1], [], []>, transpose_lhs_hint = false} : vector<3968x16xbf16>, vector<16x128xbf16>, vector<3968x128xf32> -> vector<3968x128xf32>
    %add3A_34 = arith.addf %add3A_28, %dot_general3A_33 : vector<3968x128xf32>
    %get3A_35 = arith.constant 0 : index
    %get3A_36 = arith.constant 0 : index
    %get3A_37 = vector.load %arg9[%get3A_35, %get3A_36] : memref<1x128xf32, #tpu.memory_space<vmem>>, vector<1x128xf32>
    %add3A_38 = vector.broadcast %get3A_37 : vector<1x128xf32> to vector<3968x128xf32>
    %add3A_39 = arith.addf %add3A_34, %add3A_38 : vector<3968x128xf32>
    %logistic3A = arith.negf %add3A_39 : vector<3968x128xf32>
    %logistic3A_40 = math.exp %logistic3A : vector<3968x128xf32>
    %logistic3A_41 = arith.constant 1.000000e+00 : f32
    %logistic3A_42 = vector.broadcast %logistic3A_41 : f32 to vector<3968x128xf32>
    %logistic3A_43 = arith.addf %logistic3A_42, %logistic3A_40 : vector<3968x128xf32>
    %logistic3A_44 = arith.divf %logistic3A_42, %logistic3A_43 : vector<3968x128xf32>
    %mul3A = arith.mulf %add3A_39, %logistic3A_44 : vector<3968x128xf32>
    %convert_element_type3A_45 = arith.truncf %mul3A : vector<3968x128xf32> to vector<3968x128xbf16>
    %get3A_46 = arith.constant 0 : index
    %get3A_47 = arith.constant 0 : index
    %get3A_48 = vector.load %arg10[%get3A_46, %get3A_47] : memref<128x128xbf16, #tpu.memory_space<vmem>>, vector<128x128xbf16>
    %dot_general3A_49 = arith.constant dense<0.000000e+00> : vector<3968x128xf32>
    %dot_general3A_50 = tpu.matmul %convert_element_type3A_45, %get3A_48, %dot_general3A_49 {dimension_numbers = #tpu.dot_dimension_numbers<[1], [0], [0], [1], [0, 0, 1, 1], [], []>, transpose_lhs_hint = false} : vector<3968x128xbf16>, vector<128x128xbf16>, vector<3968x128xf32> -> vector<3968x128xf32>
    %get3A_51 = arith.constant 0 : index
    %get3A_52 = arith.constant 0 : index
    %get3A_53 = vector.load %arg11[%get3A_51, %get3A_52] : memref<1x128xf32, #tpu.memory_space<vmem>>, vector<1x128xf32>
    %add3A_54 = vector.broadcast %get3A_53 : vector<1x128xf32> to vector<3968x128xf32>
    %add3A_55 = arith.addf %dot_general3A_50, %add3A_54 : vector<3968x128xf32>
    %logistic3A_56 = arith.negf %add3A_55 : vector<3968x128xf32>
    %logistic3A_57 = math.exp %logistic3A_56 : vector<3968x128xf32>
    %logistic3A_58 = arith.constant 1.000000e+00 : f32
    %logistic3A_59 = vector.broadcast %logistic3A_58 : f32 to vector<3968x128xf32>
    %logistic3A_60 = arith.addf %logistic3A_59, %logistic3A_57 : vector<3968x128xf32>
    %logistic3A_61 = arith.divf %logistic3A_59, %logistic3A_60 : vector<3968x128xf32>
    %mul3A_62 = arith.mulf %add3A_55, %logistic3A_61 : vector<3968x128xf32>
    %convert_element_type3A_63 = arith.truncf %mul3A_62 : vector<3968x128xf32> to vector<3968x128xbf16>
    %get3A_64 = arith.constant 0 : index
    %get3A_65 = arith.constant 0 : index
    %get3A_66 = vector.load %arg12[%get3A_64, %get3A_65] : memref<128x32xbf16, #tpu.memory_space<vmem>>, vector<128x32xbf16>
    %dot_general3A_67 = arith.constant dense<0.000000e+00> : vector<3968x32xf32>
    %dot_general3A_68 = tpu.matmul %convert_element_type3A_63, %get3A_66, %dot_general3A_67 {dimension_numbers = #tpu.dot_dimension_numbers<[1], [0], [0], [1], [0, 0, 1, 1], [], []>, transpose_lhs_hint = false} : vector<3968x128xbf16>, vector<128x32xbf16>, vector<3968x32xf32> -> vector<3968x32xf32>
    %get3A_69 = arith.constant 0 : index
    %get3A_70 = arith.constant 0 : index
    %get3A_71 = vector.load %arg13[%get3A_69, %get3A_70] : memref<1x32xf32, #tpu.memory_space<vmem>>, vector<1x32xf32>
    %add3A_72 = vector.broadcast %get3A_71 : vector<1x32xf32> to vector<3968x32xf32>
    %add3A_73 = arith.addf %dot_general3A_68, %add3A_72 : vector<3968x32xf32>
    %get3A_74 = arith.constant 0 : index
    %get3A_75 = arith.constant 0 : index
    %get3A_76 = vector.load %arg14[%get3A_74, %get3A_75] : memref<128x128xbf16, #tpu.memory_space<vmem>>, vector<128x128xbf16>
    %dot_general3A_77 = arith.constant dense<0.000000e+00> : vector<3968x128xf32>
    %dot_general3A_78 = tpu.matmul %convert_element_type3A_5, %get3A_76, %dot_general3A_77 {dimension_numbers = #tpu.dot_dimension_numbers<[1], [0], [0], [1], [0, 0, 1, 1], [], []>, transpose_lhs_hint = false} : vector<3968x128xbf16>, vector<128x128xbf16>, vector<3968x128xf32> -> vector<3968x128xf32>
    %convert_element_type3A_79 = arith.truncf %add3A_73 : vector<3968x32xf32> to vector<3968x32xbf16>
    %get3A_80 = arith.constant 0 : index
    %get3A_81 = arith.constant 0 : index
    %get3A_82 = vector.load %arg17[%get3A_80, %get3A_81] : memref<32x128xbf16, #tpu.memory_space<vmem>>, vector<32x128xbf16>
    %dot_general3A_83 = arith.constant dense<0.000000e+00> : vector<3968x128xf32>
    %dot_general3A_84 = tpu.matmul %convert_element_type3A_79, %get3A_82, %dot_general3A_83 {dimension_numbers = #tpu.dot_dimension_numbers<[1], [0], [0], [1], [0, 0, 1, 1], [], []>, transpose_lhs_hint = false} : vector<3968x32xbf16>, vector<32x128xbf16>, vector<3968x128xf32> -> vector<3968x128xf32>
    %add3A_85 = arith.addf %dot_general3A_78, %dot_general3A_84 : vector<3968x128xf32>
    %get3A_86 = arith.constant 0 : index
    %get3A_87 = arith.constant 0 : index
    %get3A_88 = vector.load %arg15[%get3A_86, %get3A_87] : memref<16x128xbf16, #tpu.memory_space<vmem>>, vector<16x128xbf16>
    %dot_general3A_89 = arith.constant dense<0.000000e+00> : vector<3968x128xf32>
    %dot_general3A_90 = tpu.matmul %convert_element_type3A_9, %get3A_88, %dot_general3A_89 {dimension_numbers = #tpu.dot_dimension_numbers<[1], [0], [0], [1], [0, 0, 1, 1], [], []>, transpose_lhs_hint = false} : vector<3968x16xbf16>, vector<16x128xbf16>, vector<3968x128xf32> -> vector<3968x128xf32>
    %add3A_91 = arith.addf %add3A_85, %dot_general3A_90 : vector<3968x128xf32>
    %get3A_92 = arith.constant 0 : index
    %get3A_93 = arith.constant 0 : index
    %get3A_94 = vector.load %arg16[%get3A_92, %get3A_93] : memref<16x128xbf16, #tpu.memory_space<vmem>>, vector<16x128xbf16>
    %dot_general3A_95 = arith.constant dense<0.000000e+00> : vector<3968x128xf32>
    %dot_general3A_96 = tpu.matmul %convert_element_type3A_13, %get3A_94, %dot_general3A_95 {dimension_numbers = #tpu.dot_dimension_numbers<[1], [0], [0], [1], [0, 0, 1, 1], [], []>, transpose_lhs_hint = false} : vector<3968x16xbf16>, vector<16x128xbf16>, vector<3968x128xf32> -> vector<3968x128xf32>
    %add3A_97 = arith.addf %add3A_91, %dot_general3A_96 : vector<3968x128xf32>
    %get3A_98 = arith.constant 0 : index
    %get3A_99 = arith.constant 0 : index
    %get3A_100 = vector.load %arg18[%get3A_98, %get3A_99] : memref<1x128xf32, #tpu.memory_space<vmem>>, vector<1x128xf32>
    %add3A_101 = vector.broadcast %get3A_100 : vector<1x128xf32> to vector<3968x128xf32>
    %add3A_102 = arith.addf %add3A_97, %add3A_101 : vector<3968x128xf32>
    %logistic3A_103 = arith.negf %add3A_102 : vector<3968x128xf32>
    %logistic3A_104 = math.exp %logistic3A_103 : vector<3968x128xf32>
    %logistic3A_105 = arith.constant 1.000000e+00 : f32
    %logistic3A_106 = vector.broadcast %logistic3A_105 : f32 to vector<3968x128xf32>
    %logistic3A_107 = arith.addf %logistic3A_106, %logistic3A_104 : vector<3968x128xf32>
    %logistic3A_108 = arith.divf %logistic3A_106, %logistic3A_107 : vector<3968x128xf32>
    %mul3A_109 = arith.mulf %add3A_102, %logistic3A_108 : vector<3968x128xf32>
    %convert_element_type3A_110 = arith.truncf %mul3A_109 : vector<3968x128xf32> to vector<3968x128xbf16>
    %get3A_111 = arith.constant 0 : index
    %get3A_112 = arith.constant 0 : index
    %get3A_113 = vector.load %arg19[%get3A_111, %get3A_112] : memref<128x128xbf16, #tpu.memory_space<vmem>>, vector<128x128xbf16>
    %dot_general3A_114 = arith.constant dense<0.000000e+00> : vector<3968x128xf32>
    %dot_general3A_115 = tpu.matmul %convert_element_type3A_110, %get3A_113, %dot_general3A_114 {dimension_numbers = #tpu.dot_dimension_numbers<[1], [0], [0], [1], [0, 0, 1, 1], [], []>, transpose_lhs_hint = false} : vector<3968x128xbf16>, vector<128x128xbf16>, vector<3968x128xf32> -> vector<3968x128xf32>
    %get3A_116 = arith.constant 0 : index
    %get3A_117 = arith.constant 0 : index
    %get3A_118 = vector.load %arg20[%get3A_116, %get3A_117] : memref<1x128xf32, #tpu.memory_space<vmem>>, vector<1x128xf32>
    %add3A_119 = vector.broadcast %get3A_118 : vector<1x128xf32> to vector<3968x128xf32>
    %add3A_120 = arith.addf %dot_general3A_115, %add3A_119 : vector<3968x128xf32>
    %swap3A = arith.constant 0 : index
    %swap3A_121 = arith.constant 0 : index
    %swap3A_122 = vector.load %arg21[%swap3A, %swap3A_121] : memref<3968x128xf32, #tpu.memory_space<vmem>>, vector<3968x128xf32>
    tpu.vector_store %arg21[%swap3A, %swap3A_121], %add3A_120 {strides = array<i32>} : memref<3968x128xf32, #tpu.memory_space<vmem>>, vector<3968x128xf32>,
    return
  }
  func.func @transform_0(%arg0: i32) -> (i32, i32) {
    %c0_i32 = arith.constant 0 : i32
    %c0_i32_0 = arith.constant 0 : i32
    return %arg0, %c0_i32 : i32, i32
  }
  func.func @transform_1(%arg0: i32) -> (i32, i32) {
    %c0_i32 = arith.constant 0 : i32
    %c0_i32_0 = arith.constant 0 : i32
    return %arg0, %c0_i32 : i32, i32
  }
  func.func @transform_2(%arg0: i32) -> (i32, i32) {
    %c0_i32 = arith.constant 0 : i32
    %c0_i32_0 = arith.constant 0 : i32
    return %arg0, %c0_i32 : i32, i32
  }
  func.func @transform_3(%arg0: i32) -> (i32, i32) {
    %c0_i32 = arith.constant 0 : i32
    %c0_i32_0 = arith.constant 0 : i32
    return %arg0, %c0_i32 : i32, i32
  }
  func.func @transform_4(%arg0: i32) -> (i32, i32) {
    %c0_i32 = arith.constant 0 : i32
    %c0_i32_0 = arith.constant 0 : i32
    %c0_i32_1 = arith.constant 0 : i32
    return %c0_i32, %c0_i32_0 : i32, i32
  }
  func.func @transform_5(%arg0: i32) -> (i32, i32) {
    %c0_i32 = arith.constant 0 : i32
    %c0_i32_0 = arith.constant 0 : i32
    %c0_i32_1 = arith.constant 0 : i32
    return %c0_i32, %c0_i32_0 : i32, i32
  }
  func.func @transform_6(%arg0: i32) -> (i32, i32) {
    %c0_i32 = arith.constant 0 : i32
    %c0_i32_0 = arith.constant 0 : i32
    %c0_i32_1 = arith.constant 0 : i32
    return %c0_i32, %c0_i32_0 : i32, i32
  }
  func.func @transform_7(%arg0: i32) -> (i32, i32) {
    %c0_i32 = arith.constant 0 : i32
    %c0_i32_0 = arith.constant 0 : i32
    %c0_i32_1 = arith.constant 0 : i32
    return %c0_i32, %c0_i32_0 : i32, i32
  }
  func.func @transform_8(%arg0: i32) -> (i32, i32) {
    %c0_i32 = arith.constant 0 : i32
    %c0_i32_0 = arith.constant 0 : i32
    %c0_i32_1 = arith.constant 0 : i32
    return %c0_i32, %c0_i32_0 : i32, i32
  }
  func.func @transform_9(%arg0: i32) -> (i32, i32) {
    %c0_i32 = arith.constant 0 : i32
    %c0_i32_0 = arith.constant 0 : i32
    %c0_i32_1 = arith.constant 0 : i32
    return %c0_i32, %c0_i32_0 : i32, i32
  }
  func.func @transform_10(%arg0: i32) -> (i32, i32) {
    %c0_i32 = arith.constant 0 : i32
    %c0_i32_0 = arith.constant 0 : i32
    %c0_i32_1 = arith.constant 0 : i32
    return %c0_i32, %c0_i32_0 : i32, i32
  }
  func.func @transform_11(%arg0: i32) -> (i32, i32) {
    %c0_i32 = arith.constant 0 : i32
    %c0_i32_0 = arith.constant 0 : i32
    %c0_i32_1 = arith.constant 0 : i32
    return %c0_i32, %c0_i32_0 : i32, i32
  }
  func.func @transform_12(%arg0: i32) -> (i32, i32) {
    %c0_i32 = arith.constant 0 : i32
    %c0_i32_0 = arith.constant 0 : i32
    %c0_i32_1 = arith.constant 0 : i32
    return %c0_i32, %c0_i32_0 : i32, i32
  }
  func.func @transform_13(%arg0: i32) -> (i32, i32) {
    %c0_i32 = arith.constant 0 : i32
    %c0_i32_0 = arith.constant 0 : i32
    %c0_i32_1 = arith.constant 0 : i32
    return %c0_i32, %c0_i32_0 : i32, i32
  }
  func.func @transform_14(%arg0: i32) -> (i32, i32) {
    %c0_i32 = arith.constant 0 : i32
    %c0_i32_0 = arith.constant 0 : i32
    %c0_i32_1 = arith.constant 0 : i32
    return %c0_i32, %c0_i32_0 : i32, i32
  }
  func.func @transform_15(%arg0: i32) -> (i32, i32) {
    %c0_i32 = arith.constant 0 : i32
    %c0_i32_0 = arith.constant 0 : i32
    %c0_i32_1 = arith.constant 0 : i32
    return %c0_i32, %c0_i32_0 : i32, i32
  }
  func.func @transform_16(%arg0: i32) -> (i32, i32) {
    %c0_i32 = arith.constant 0 : i32
    %c0_i32_0 = arith.constant 0 : i32
    %c0_i32_1 = arith.constant 0 : i32
    return %c0_i32, %c0_i32_0 : i32, i32
  }
  func.func @transform_17(%arg0: i32) -> (i32, i32) {
    %c0_i32 = arith.constant 0 : i32
    %c0_i32_0 = arith.constant 0 : i32
    %c0_i32_1 = arith.constant 0 : i32
    return %c0_i32, %c0_i32_0 : i32, i32
  }
  func.func @transform_18(%arg0: i32) -> (i32, i32) {
    %c0_i32 = arith.constant 0 : i32
    %c0_i32_0 = arith.constant 0 : i32
    %c0_i32_1 = arith.constant 0 : i32
    return %c0_i32, %c0_i32_0 : i32, i32
  }
  func.func @transform_19(%arg0: i32) -> (i32, i32) {
    %c0_i32 = arith.constant 0 : i32
    %c0_i32_0 = arith.constant 0 : i32
    %c0_i32_1 = arith.constant 0 : i32
    return %c0_i32, %c0_i32_0 : i32, i32
  }
  func.func @transform_20(%arg0: i32) -> (i32, i32) {
    %c0_i32 = arith.constant 0 : i32
    %c0_i32_0 = arith.constant 0 : i32
    return %arg0, %c0_i32 : i32, i32
  }
}

module attributes {stable_mosaic.version = 14 : i64} {
  func.func @body(%arg0: i32, %arg1: memref<1000x128xf32, #tpu.memory_space<vmem>>, %arg2: memref<1000x128xf32, #tpu.memory_space<vmem>>, %arg3: memref<1000x32xf32, #tpu.memory_space<vmem>>, %arg4: memref<1000x128xf32, #tpu.memory_space<vmem>>, %arg5: memref<1000x1xi32, #tpu.memory_space<vmem>>, %arg6: memref<128x128xbf16, #tpu.memory_space<vmem>>, %arg7: memref<1x128xf32, #tpu.memory_space<vmem>>, %arg8: memref<128x128xbf16, #tpu.memory_space<vmem>>, %arg9: memref<1x128xf32, #tpu.memory_space<vmem>>, %arg10: memref<128x81xbf16, #tpu.memory_space<vmem>>, %arg11: memref<1x81xf32, #tpu.memory_space<vmem>>, %arg12: memref<128x128xbf16, #tpu.memory_space<vmem>>, %arg13: memref<1x128xf32, #tpu.memory_space<vmem>>, %arg14: memref<128x128xbf16, #tpu.memory_space<vmem>>, %arg15: memref<1x128xf32, #tpu.memory_space<vmem>>, %arg16: memref<128x81xbf16, #tpu.memory_space<vmem>>, %arg17: memref<1x81xf32, #tpu.memory_space<vmem>>, %arg18: memref<1000x81xf32, #tpu.memory_space<vmem>>) attributes {dimension_semantics = [#tpu.dimension_semantics<arbitrary>], iteration_bounds = array<i64: 10>, scalar_prefetch = 0 : i64, scratch_operands = 0 : i64, tpu.core_type = #tpu.core_type<tc>, window_params = [{transform_indices = @transform_0, window_bounds = array<i64: 1000, 128>}, {transform_indices = @transform_1, window_bounds = array<i64: 1000, 128>}, {transform_indices = @transform_2, window_bounds = array<i64: 1000, 32>}, {transform_indices = @transform_3, window_bounds = array<i64: 1000, 128>}, {transform_indices = @transform_4, window_bounds = array<i64: 1000, 1>}, {pipeline_mode = #tpu.pipeline_mode<synchronous>, transform_indices = @transform_5, window_bounds = array<i64: 128, 128>}, {pipeline_mode = #tpu.pipeline_mode<synchronous>, transform_indices = @transform_6, window_bounds = array<i64: 1, 128>}, {pipeline_mode = #tpu.pipeline_mode<synchronous>, transform_indices = @transform_7, window_bounds = array<i64: 128, 128>}, {pipeline_mode = #tpu.pipeline_mode<synchronous>, transform_indices = @transform_8, window_bounds = array<i64: 1, 128>}, {pipeline_mode = #tpu.pipeline_mode<synchronous>, transform_indices = @transform_9, window_bounds = array<i64: 128, 81>}, {pipeline_mode = #tpu.pipeline_mode<synchronous>, transform_indices = @transform_10, window_bounds = array<i64: 1, 81>}, {pipeline_mode = #tpu.pipeline_mode<synchronous>, transform_indices = @transform_11, window_bounds = array<i64: 128, 128>}, {pipeline_mode = #tpu.pipeline_mode<synchronous>, transform_indices = @transform_12, window_bounds = array<i64: 1, 128>}, {pipeline_mode = #tpu.pipeline_mode<synchronous>, transform_indices = @transform_13, window_bounds = array<i64: 128, 128>}, {pipeline_mode = #tpu.pipeline_mode<synchronous>, transform_indices = @transform_14, window_bounds = array<i64: 1, 128>}, {pipeline_mode = #tpu.pipeline_mode<synchronous>, transform_indices = @transform_15, window_bounds = array<i64: 128, 81>}, {pipeline_mode = #tpu.pipeline_mode<synchronous>, transform_indices = @transform_16, window_bounds = array<i64: 1, 81>}, {transform_indices = @transform_17, window_bounds = array<i64: 1000, 81>}]} {
    %get3A = arith.constant 0 : index
    %get3A_0 = arith.constant 0 : index
    %get3A_1 = vector.load %arg3[%get3A, %get3A_0] : memref<1000x32xf32, #tpu.memory_space<vmem>>, vector<1000x32xf32>
    %reduce_sum3A = arith.constant dense<0.000000e+00> : vector<1000xf32>
    %reduce_sum3A_2 = vector.multi_reduction <add>, %get3A_1, %reduce_sum3A [1] : vector<1000x32xf32> to vector<1000xf32>
    %max3A = arith.constant 1.000000e+00 : f32
    %max3A_3 = vector.broadcast %max3A : f32 to vector<1000xf32>
    %max3A_4 = arith.maximumf %reduce_sum3A_2, %max3A_3 : vector<1000xf32>
    %broadcast_in_dim3A = vector.shape_cast %max3A_4 : vector<1000xf32> to vector<1000x1xf32>
    %get3A_5 = arith.constant 0 : index
    %get3A_6 = arith.constant 0 : index
    %get3A_7 = vector.load %arg1[%get3A_5, %get3A_6] : memref<1000x128xf32, #tpu.memory_space<vmem>>, vector<1000x128xf32>
    %get3A_8 = arith.constant 0 : index
    %get3A_9 = arith.constant 0 : index
    %get3A_10 = vector.load %arg2[%get3A_8, %get3A_9] : memref<1000x128xf32, #tpu.memory_space<vmem>>, vector<1000x128xf32>
    %add3A = arith.addf %get3A_7, %get3A_10 : vector<1000x128xf32>
    %div3A = vector.broadcast %broadcast_in_dim3A : vector<1000x1xf32> to vector<1000x128xf32>
    %div3A_11 = arith.divf %add3A, %div3A : vector<1000x128xf32>
    %get3A_12 = arith.constant 0 : index
    %get3A_13 = arith.constant 0 : index
    %get3A_14 = vector.load %arg4[%get3A_12, %get3A_13] : memref<1000x128xf32, #tpu.memory_space<vmem>>, vector<1000x128xf32>
    %add3A_15 = arith.addf %div3A_11, %get3A_14 : vector<1000x128xf32>
    %convert_element_type3A = arith.truncf %add3A_15 : vector<1000x128xf32> to vector<1000x128xbf16>
    %get3A_16 = arith.constant 0 : index
    %get3A_17 = arith.constant 0 : index
    %get3A_18 = vector.load %arg6[%get3A_16, %get3A_17] : memref<128x128xbf16, #tpu.memory_space<vmem>>, vector<128x128xbf16>
    %dot_general3A = arith.constant dense<0.000000e+00> : vector<1000x128xf32>
    %dot_general3A_19 = tpu.matmul %convert_element_type3A, %get3A_18, %dot_general3A {dimension_numbers = #tpu.dot_dimension_numbers<[1], [0], [0], [1], [0, 0, 1, 1], [], []>, transpose_lhs_hint = false} : vector<1000x128xbf16>, vector<128x128xbf16>, vector<1000x128xf32> -> vector<1000x128xf32>
    %get3A_20 = arith.constant 0 : index
    %get3A_21 = arith.constant 0 : index
    %get3A_22 = vector.load %arg7[%get3A_20, %get3A_21] : memref<1x128xf32, #tpu.memory_space<vmem>>, vector<1x128xf32>
    %add3A_23 = vector.broadcast %get3A_22 : vector<1x128xf32> to vector<1000x128xf32>
    %add3A_24 = arith.addf %dot_general3A_19, %add3A_23 : vector<1000x128xf32>
    %logistic3A = arith.negf %add3A_24 : vector<1000x128xf32>
    %logistic3A_25 = math.exp %logistic3A : vector<1000x128xf32>
    %logistic3A_26 = arith.constant 1.000000e+00 : f32
    %logistic3A_27 = vector.broadcast %logistic3A_26 : f32 to vector<1000x128xf32>
    %logistic3A_28 = arith.addf %logistic3A_27, %logistic3A_25 : vector<1000x128xf32>
    %logistic3A_29 = arith.divf %logistic3A_27, %logistic3A_28 : vector<1000x128xf32>
    %mul3A = arith.mulf %add3A_24, %logistic3A_29 : vector<1000x128xf32>
    %convert_element_type3A_30 = arith.truncf %mul3A : vector<1000x128xf32> to vector<1000x128xbf16>
    %get3A_31 = arith.constant 0 : index
    %get3A_32 = arith.constant 0 : index
    %get3A_33 = vector.load %arg8[%get3A_31, %get3A_32] : memref<128x128xbf16, #tpu.memory_space<vmem>>, vector<128x128xbf16>
    %dot_general3A_34 = arith.constant dense<0.000000e+00> : vector<1000x128xf32>
    %dot_general3A_35 = tpu.matmul %convert_element_type3A_30, %get3A_33, %dot_general3A_34 {dimension_numbers = #tpu.dot_dimension_numbers<[1], [0], [0], [1], [0, 0, 1, 1], [], []>, transpose_lhs_hint = false} : vector<1000x128xbf16>, vector<128x128xbf16>, vector<1000x128xf32> -> vector<1000x128xf32>
    %get3A_36 = arith.constant 0 : index
    %get3A_37 = arith.constant 0 : index
    %get3A_38 = vector.load %arg9[%get3A_36, %get3A_37] : memref<1x128xf32, #tpu.memory_space<vmem>>, vector<1x128xf32>
    %add3A_39 = vector.broadcast %get3A_38 : vector<1x128xf32> to vector<1000x128xf32>
    %add3A_40 = arith.addf %dot_general3A_35, %add3A_39 : vector<1000x128xf32>
    %logistic3A_41 = arith.negf %add3A_40 : vector<1000x128xf32>
    %logistic3A_42 = math.exp %logistic3A_41 : vector<1000x128xf32>
    %logistic3A_43 = arith.constant 1.000000e+00 : f32
    %logistic3A_44 = vector.broadcast %logistic3A_43 : f32 to vector<1000x128xf32>
    %logistic3A_45 = arith.addf %logistic3A_44, %logistic3A_42 : vector<1000x128xf32>
    %logistic3A_46 = arith.divf %logistic3A_44, %logistic3A_45 : vector<1000x128xf32>
    %mul3A_47 = arith.mulf %add3A_40, %logistic3A_46 : vector<1000x128xf32>
    %convert_element_type3A_48 = arith.truncf %mul3A_47 : vector<1000x128xf32> to vector<1000x128xbf16>
    %get3A_49 = arith.constant 0 : index
    %get3A_50 = arith.constant 0 : index
    %get3A_51 = vector.load %arg10[%get3A_49, %get3A_50] : memref<128x81xbf16, #tpu.memory_space<vmem>>, vector<128x81xbf16>
    %dot_general3A_52 = arith.constant dense<0.000000e+00> : vector<1000x81xf32>
    %dot_general3A_53 = tpu.matmul %convert_element_type3A_48, %get3A_51, %dot_general3A_52 {dimension_numbers = #tpu.dot_dimension_numbers<[1], [0], [0], [1], [0, 0, 1, 1], [], []>, transpose_lhs_hint = false} : vector<1000x128xbf16>, vector<128x81xbf16>, vector<1000x81xf32> -> vector<1000x81xf32>
    %get3A_54 = arith.constant 0 : index
    %get3A_55 = arith.constant 0 : index
    %get3A_56 = vector.load %arg11[%get3A_54, %get3A_55] : memref<1x81xf32, #tpu.memory_space<vmem>>, vector<1x81xf32>
    %add3A_57 = vector.broadcast %get3A_56 : vector<1x81xf32> to vector<1000x81xf32>
    %add3A_58 = arith.addf %dot_general3A_53, %add3A_57 : vector<1000x81xf32>
    %get3A_59 = arith.constant 0 : index
    %get3A_60 = arith.constant 0 : index
    %get3A_61 = vector.load %arg12[%get3A_59, %get3A_60] : memref<128x128xbf16, #tpu.memory_space<vmem>>, vector<128x128xbf16>
    %dot_general3A_62 = arith.constant dense<0.000000e+00> : vector<1000x128xf32>
    %dot_general3A_63 = tpu.matmul %convert_element_type3A, %get3A_61, %dot_general3A_62 {dimension_numbers = #tpu.dot_dimension_numbers<[1], [0], [0], [1], [0, 0, 1, 1], [], []>, transpose_lhs_hint = false} : vector<1000x128xbf16>, vector<128x128xbf16>, vector<1000x128xf32> -> vector<1000x128xf32>
    %get3A_64 = arith.constant 0 : index
    %get3A_65 = arith.constant 0 : index
    %get3A_66 = vector.load %arg13[%get3A_64, %get3A_65] : memref<1x128xf32, #tpu.memory_space<vmem>>, vector<1x128xf32>
    %add3A_67 = vector.broadcast %get3A_66 : vector<1x128xf32> to vector<1000x128xf32>
    %add3A_68 = arith.addf %dot_general3A_63, %add3A_67 : vector<1000x128xf32>
    %logistic3A_69 = arith.negf %add3A_68 : vector<1000x128xf32>
    %logistic3A_70 = math.exp %logistic3A_69 : vector<1000x128xf32>
    %logistic3A_71 = arith.constant 1.000000e+00 : f32
    %logistic3A_72 = vector.broadcast %logistic3A_71 : f32 to vector<1000x128xf32>
    %logistic3A_73 = arith.addf %logistic3A_72, %logistic3A_70 : vector<1000x128xf32>
    %logistic3A_74 = arith.divf %logistic3A_72, %logistic3A_73 : vector<1000x128xf32>
    %mul3A_75 = arith.mulf %add3A_68, %logistic3A_74 : vector<1000x128xf32>
    %convert_element_type3A_76 = arith.truncf %mul3A_75 : vector<1000x128xf32> to vector<1000x128xbf16>
    %get3A_77 = arith.constant 0 : index
    %get3A_78 = arith.constant 0 : index
    %get3A_79 = vector.load %arg14[%get3A_77, %get3A_78] : memref<128x128xbf16, #tpu.memory_space<vmem>>, vector<128x128xbf16>
    %dot_general3A_80 = arith.constant dense<0.000000e+00> : vector<1000x128xf32>
    %dot_general3A_81 = tpu.matmul %convert_element_type3A_76, %get3A_79, %dot_general3A_80 {dimension_numbers = #tpu.dot_dimension_numbers<[1], [0], [0], [1], [0, 0, 1, 1], [], []>, transpose_lhs_hint = false} : vector<1000x128xbf16>, vector<128x128xbf16>, vector<1000x128xf32> -> vector<1000x128xf32>
    %get3A_82 = arith.constant 0 : index
    %get3A_83 = arith.constant 0 : index
    %get3A_84 = vector.load %arg15[%get3A_82, %get3A_83] : memref<1x128xf32, #tpu.memory_space<vmem>>, vector<1x128xf32>
    %add3A_85 = vector.broadcast %get3A_84 : vector<1x128xf32> to vector<1000x128xf32>
    %add3A_86 = arith.addf %dot_general3A_81, %add3A_85 : vector<1000x128xf32>
    %logistic3A_87 = arith.negf %add3A_86 : vector<1000x128xf32>
    %logistic3A_88 = math.exp %logistic3A_87 : vector<1000x128xf32>
    %logistic3A_89 = arith.constant 1.000000e+00 : f32
    %logistic3A_90 = vector.broadcast %logistic3A_89 : f32 to vector<1000x128xf32>
    %logistic3A_91 = arith.addf %logistic3A_90, %logistic3A_88 : vector<1000x128xf32>
    %logistic3A_92 = arith.divf %logistic3A_90, %logistic3A_91 : vector<1000x128xf32>
    %mul3A_93 = arith.mulf %add3A_86, %logistic3A_92 : vector<1000x128xf32>
    %convert_element_type3A_94 = arith.truncf %mul3A_93 : vector<1000x128xf32> to vector<1000x128xbf16>
    %get3A_95 = arith.constant 0 : index
    %get3A_96 = arith.constant 0 : index
    %get3A_97 = vector.load %arg16[%get3A_95, %get3A_96] : memref<128x81xbf16, #tpu.memory_space<vmem>>, vector<128x81xbf16>
    %dot_general3A_98 = arith.constant dense<0.000000e+00> : vector<1000x81xf32>
    %dot_general3A_99 = tpu.matmul %convert_element_type3A_94, %get3A_97, %dot_general3A_98 {dimension_numbers = #tpu.dot_dimension_numbers<[1], [0], [0], [1], [0, 0, 1, 1], [], []>, transpose_lhs_hint = false} : vector<1000x128xbf16>, vector<128x81xbf16>, vector<1000x81xf32> -> vector<1000x81xf32>
    %get3A_100 = arith.constant 0 : index
    %get3A_101 = arith.constant 0 : index
    %get3A_102 = vector.load %arg17[%get3A_100, %get3A_101] : memref<1x81xf32, #tpu.memory_space<vmem>>, vector<1x81xf32>
    %add3A_103 = vector.broadcast %get3A_102 : vector<1x81xf32> to vector<1000x81xf32>
    %add3A_104 = arith.addf %dot_general3A_99, %add3A_103 : vector<1000x81xf32>
    %get3A_105 = arith.constant 0 : index
    %get3A_106 = arith.constant 0 : index
    %get3A_107 = vector.load %arg5[%get3A_105, %get3A_106] : memref<1000x1xi32, #tpu.memory_space<vmem>>, vector<1000x1xi32>
    %eq3A = arith.constant 0 : i32
    %eq3A_108 = vector.broadcast %eq3A : i32 to vector<1000x1xi32>
    %eq3A_109 = arith.cmpi eq, %get3A_107, %eq3A_108 : vector<1000x1xi32>
    %broadcast_in_dim3A_110 = vector.shape_cast %eq3A_109 : vector<1000x1xi1> to vector<1000x1xi1>
    %broadcast_in_dim3A_111 = vector.broadcast %broadcast_in_dim3A_110 : vector<1000x1xi1> to vector<1000x81xi1>
    %select_n3A = arith.select %broadcast_in_dim3A_111, %add3A_58, %add3A_104 : vector<1000x81xi1>, vector<1000x81xf32>
    %swap3A = arith.constant 0 : index
    %swap3A_112 = arith.constant 0 : index
    %swap3A_113 = vector.load %arg18[%swap3A, %swap3A_112] : memref<1000x81xf32, #tpu.memory_space<vmem>>, vector<1000x81xf32>
    tpu.vector_store %arg18[%swap3A, %swap3A_112], %select_n3A {strides = array<i32>} : memref<1000x81xf32, #tpu.memory_space<vmem>>, vector<1000x81xf32>,
    return
  }
  func.func @transform_0(%arg0: i32) -> (i32, i32) {
    %c0_i32 = arith.constant 0 : i32
    %c0_i32_0 = arith.constant 0 : i32
    return %arg0, %c0_i32 : i32, i32
  }
  func.func @transform_1(%arg0: i32) -> (i32, i32) {
    %c0_i32 = arith.constant 0 : i32
    %c0_i32_0 = arith.constant 0 : i32
    return %arg0, %c0_i32 : i32, i32
  }
  func.func @transform_2(%arg0: i32) -> (i32, i32) {
    %c0_i32 = arith.constant 0 : i32
    %c0_i32_0 = arith.constant 0 : i32
    return %arg0, %c0_i32 : i32, i32
  }
  func.func @transform_3(%arg0: i32) -> (i32, i32) {
    %c0_i32 = arith.constant 0 : i32
    %c0_i32_0 = arith.constant 0 : i32
    return %arg0, %c0_i32 : i32, i32
  }
  func.func @transform_4(%arg0: i32) -> (i32, i32) {
    %c0_i32 = arith.constant 0 : i32
    %c0_i32_0 = arith.constant 0 : i32
    return %arg0, %c0_i32 : i32, i32
  }
  func.func @transform_5(%arg0: i32) -> (i32, i32) {
    %c0_i32 = arith.constant 0 : i32
    %c0_i32_0 = arith.constant 0 : i32
    %c0_i32_1 = arith.constant 0 : i32
    return %c0_i32, %c0_i32_0 : i32, i32
  }
  func.func @transform_6(%arg0: i32) -> (i32, i32) {
    %c0_i32 = arith.constant 0 : i32
    %c0_i32_0 = arith.constant 0 : i32
    %c0_i32_1 = arith.constant 0 : i32
    return %c0_i32, %c0_i32_0 : i32, i32
  }
  func.func @transform_7(%arg0: i32) -> (i32, i32) {
    %c0_i32 = arith.constant 0 : i32
    %c0_i32_0 = arith.constant 0 : i32
    %c0_i32_1 = arith.constant 0 : i32
    return %c0_i32, %c0_i32_0 : i32, i32
  }
  func.func @transform_8(%arg0: i32) -> (i32, i32) {
    %c0_i32 = arith.constant 0 : i32
    %c0_i32_0 = arith.constant 0 : i32
    %c0_i32_1 = arith.constant 0 : i32
    return %c0_i32, %c0_i32_0 : i32, i32
  }
  func.func @transform_9(%arg0: i32) -> (i32, i32) {
    %c0_i32 = arith.constant 0 : i32
    %c0_i32_0 = arith.constant 0 : i32
    %c0_i32_1 = arith.constant 0 : i32
    return %c0_i32, %c0_i32_0 : i32, i32
  }
  func.func @transform_10(%arg0: i32) -> (i32, i32) {
    %c0_i32 = arith.constant 0 : i32
    %c0_i32_0 = arith.constant 0 : i32
    %c0_i32_1 = arith.constant 0 : i32
    return %c0_i32, %c0_i32_0 : i32, i32
  }
  func.func @transform_11(%arg0: i32) -> (i32, i32) {
    %c0_i32 = arith.constant 0 : i32
    %c0_i32_0 = arith.constant 0 : i32
    %c0_i32_1 = arith.constant 0 : i32
    return %c0_i32, %c0_i32_0 : i32, i32
  }
  func.func @transform_12(%arg0: i32) -> (i32, i32) {
    %c0_i32 = arith.constant 0 : i32
    %c0_i32_0 = arith.constant 0 : i32
    %c0_i32_1 = arith.constant 0 : i32
    return %c0_i32, %c0_i32_0 : i32, i32
  }
  func.func @transform_13(%arg0: i32) -> (i32, i32) {
    %c0_i32 = arith.constant 0 : i32
    %c0_i32_0 = arith.constant 0 : i32
    %c0_i32_1 = arith.constant 0 : i32
    return %c0_i32, %c0_i32_0 : i32, i32
  }
  func.func @transform_14(%arg0: i32) -> (i32, i32) {
    %c0_i32 = arith.constant 0 : i32
    %c0_i32_0 = arith.constant 0 : i32
    %c0_i32_1 = arith.constant 0 : i32
    return %c0_i32, %c0_i32_0 : i32, i32
  }
  func.func @transform_15(%arg0: i32) -> (i32, i32) {
    %c0_i32 = arith.constant 0 : i32
    %c0_i32_0 = arith.constant 0 : i32
    %c0_i32_1 = arith.constant 0 : i32
    return %c0_i32, %c0_i32_0 : i32, i32
  }
  func.func @transform_16(%arg0: i32) -> (i32, i32) {
    %c0_i32 = arith.constant 0 : i32
    %c0_i32_0 = arith.constant 0 : i32
    %c0_i32_1 = arith.constant 0 : i32
    return %c0_i32, %c0_i32_0 : i32, i32
  }
  func.func @transform_17(%arg0: i32) -> (i32, i32) {
    %c0_i32 = arith.constant 0 : i32
    %c0_i32_0 = arith.constant 0 : i32
    return %arg0, %c0_i32 : i32, i32
  }
}

</mosaic_0001>

<sc_bundles>
// kernel: kernel.11.cloned.1.call-start
scs
__scs_entry_jumppad:
0x0: {  	(pc) =	sbr.rel $0x88, $3  }
0x1: {  	(tag) =	ssettag $0x0;
	lr =	simm.s32 $0x1  }
0x2: {  	[smem:$0x3F86] =	sst lr;
	_ =	strace $0xD0000000  }
0x3: {  	_ = 	snop  }
0x4: {  	_ = 	snop  }
0x5: {  	_ = 	snop  }
0x6: {  	_ = 	snop  }
0x7: {  	_ = 	snop  }
__scs_overlays_trampoline_lowered:
0x8: {  	[smem:$0x3F95] =	sst s0  }
0x9: {  	[smem:$0x3F96] =	sst s1  }
0xa: {  	[smem:$0x3F97] =	sst s2  }
0xb: {  	[smem:$0x3F98] =	sst s3  }
0xc: {  	[smem:$0x3F99] =	sst s4  }
0xd: {  	[smem:$0x3F9A] =	sst s5  }
0xe: {  	[smem:$0x3F9B] =	sst s6  }
0xf: {  	[smem:$0x3F9C] =	sst s7  }
0x10: {  	[smem:$0x3F9D] =	sst s8  }
0x11: {  	[smem:$0x3F9E] =	sst s9;
	s0 =	simm.s32 @!p0 $0x0  }
0x12: {  	s1 =	sld [smem:$0x3F84];
	s0 =	simm.s32 @p0 $0x1  }
0x13: {  	[smem:$0x3F9F] =	sst s0;
	s0 =	simm.s32 @!p1 $0x0  }
0x14: {  	s2 =	sld [smem:$0x3F83];
	s0 =	simm.s32 @p1 $0x1  }
0x15: {  	[smem:$0x3FA0] =	sst s0;
	s0 =	simm.s32 @!p2 $0x0  }
0x16: {  	s3 =	sld [smem:$0x3FDB];
	s0 =	simm.s32 @p2 $0x1  }
0x17: {  	s4 =	simm.s32 $0x1BF5;
	[smem:$0x3FA2] =	sst s0  }
0x18: {  	s0 =	sld [smem:$0x3F85];
	_ =	swait.ge [sflag:s4], $0x0  }
0x19: {  	s7 =	sld [smem:$0x3F86]  }
0x1a: {  	s8 =	sadd.s32 $0xFFFFE003, lr  }
0x1b: {  	s9 =	sadd.s32 $0xFFFFFEF7, lr;
	s5 =	simm.s32 $0xFFFFFFFF;
	p2 =	slt.u32 s8, $0xFFFFF086  }
0x1c: {  	p1 =	slt.u32 s9, $0xF7A;
	s5 =	simm.s32 @!p2 $0x0  }
0x1d: {  	s5 =	simm.s32 @p1 $0x1;
	p0 =	seq.s32 s7, s2  }
0x1e: {  	s7 =	smul.u32 @!p0 $0xF7A, s2;
	p2 =	seq.s32 @!p0 s5, $0x0  }
0x1f: {  	s9 =	smul.u32 $0xF7A, s1;
	s8 =	simm.s32 @!p0 $0x1BF5;
	p2 =	por !p2, p0  }
0x20: {  	[sflag:s8] =	ssyncset.s32 @!p0 $0xFFFFF086;
	s6 =	sadd.s32 @!p0 s3, s7;
	s7 =	simm.s32 @!p0 $0x108  }
0x21: {  	s3 =	sadd.s32 s3, s9;
	s6 =	sadd.s32 @!p0 $0x88, s6;
	s7 =	simm.s32 @p2 $0x1082  }
0x22: {  	[simem:s7], [sflag:s8] =	dma.local @!p0 [hbm:s6], $0xF7A  }
0x23: {  	s9 =	sor.u32 $0xD0000000, s2;
	s6 =	simm.s32 $0x108;
	_ =	swait.ge @!p0 [sflag:s8], $0x0  }
0x24: {  	s3 =	sadd.s32 $0x88, s3;
	s6 =	simm.s32 @!p1 $0x1082;
	[sflag:s4] =	ssyncset.s32 $0xFFFFF086  }
0x25: {  	[simem:s6], [sflag:s4] =	dma.local [hbm:s3], $0xF7A  }
0x26: {  	[smem:$0x3F86] =	sst s1;
	(tag) =	ssettag s2;
	_ =	strace s9  }
0x27: {  	s1 =	sld [smem:$0x3F96]  }
0x28: {  	s2 =	sld [smem:$0x3F97]  }
0x29: {  	s4 =	sld [smem:$0x3F99]  }
0x2a: {  	p0 =	seq.s32 s5, $0x0;
	s5 =	sld [smem:$0x3F9A]  }
0x2b: {  	s6 =	sld [smem:$0x3F9B]  }
0x2c: {  	s7 =	sld [smem:$0x3F9C]  }
0x2d: {  	s3 =	simm.s32 $0x108;
	s8 =	sld [smem:$0x3F9D]  }
0x2e: {  	s3 =	simm.s32 @!p0 $0x1082;
	s9 =	sld [smem:$0x3F9E]  }
0x2f: {  	lr =	sadd.s32 s0, s3;
	s0 =	sld [smem:$0x3F95]  }
0x30: {  	s3 =	sld [smem:$0x3F98]  }
0x31: {  	[smem:$0x3FA1] =	sst s10  }
0x32: {  	s10 =	sld [smem:$0x3F9F];
	_ =	sdelay $0x3  }
0x33: {  	p0 =	seq.s32 s10, $0x1;
	s10 =	sld [smem:$0x3FA1];
	_ =	sdelay $0x3  }
0x34: {  	[smem:$0x3FA1] =	sst s10  }
0x35: {  	s10 =	sld [smem:$0x3FA0];
	_ =	sdelay $0x3  }
0x36: {  	p1 =	seq.s32 s10, $0x1;
	s10 =	sld [smem:$0x3FA1];
	_ =	sdelay $0x3  }
0x37: {  	[smem:$0x3FA1] =	sst s10  }
0x38: {  	s10 =	sld [smem:$0x3FA2]  }
0x39: {  	_ = 	snop;
	(pc) =	sbr.ind lr, $3  }
0x3a: {  	_ = 	snop  }
0x3b: {  	_ = 	snop  }
0x3c: {  	p2 =	seq.s32 s10, $0x1;
	s10 =	sld [smem:$0x3FA1]  }
0x3d: {  	_ =	shalt  }
0x3e: {  	_ =	shalt  }
0x3f: {  	_ =	shalt  }
0x40: {  	_ =	shalt  }
0x41: {  	_ =	shalt  }
0x42: {  	_ =	shalt  }
0x43: {  	_ =	shalt  }
0x44: {  	_ =	shalt  }
0x45: {  	_ =	shalt  }
0x46: {  	_ =	shalt  }
0x47: {  	_ =	shalt  }
0x48: {  	_ =	shalt  }
0x49: {  	_ =	shalt  }
0x4a: {  	_ =	shalt  }
0x4b: {  	_ =	shalt  }
0x4c: {  	_ =	shalt  }
0x4d: {  	_ =	shalt  }
0x4e: {  	_ =	shalt  }
0x4f: {  	_ =	shalt  }
0x50: {  	_ =	shalt  }
0x51: {  	_ =	shalt  }
0x52: {  	_ =	shalt  }
0x53: {  	_ =	shalt  }
0x54: {  	_ =	shalt  }
0x55: {  	_ =	shalt  }
0x56: {  	_ =	shalt  }
0x57: {  	_ =	shalt  }
0x58: {  	_ =	shalt  }
0x59: {  	_ =	shalt  }
0x5a: {  	_ =	shalt  }
0x5b: {  	_ =	shalt  }
0x5c: {  	_ =	shalt  }
0x5d: {  	_ =	shalt  }
0x5e: {  	_ =	shalt  }
0x5f: {  	_ =	shalt  }
0x60: {  	_ =	shalt  }
0x61: {  	_ =	shalt  }
0x62: {  	_ =	shalt  }
0x63: {  	_ =	shalt  }
0x64: {  	_ =	shalt  }
0x65: {  	_ =	shalt  }
0x66: {  	_ =	shalt  }
0x67: {  	_ =	shalt  }
0x68: {  	_ =	shalt  }
0x69: {  	_ =	shalt  }
0x6a: {  	_ =	shalt  }
0x6b: {  	_ =	shalt  }
0x6c: {  	_ =	shalt  }
0x6d: {  	_ =	shalt  }
0x6e: {  	_ =	shalt  }
0x6f: {  	_ =	shalt  }
0x70: {  	_ =	shalt  }
0x71: {  	_ =	shalt  }
0x72: {  	_ =	shalt  }
0x73: {  	_ =	shalt  }
0x74: {  	_ =	shalt  }
0x75: {  	_ =	shalt  }
0x76: {  	_ =	shalt  }
0x77: {  	_ =	shalt  }
0x78: {  	_ =	shalt  }
0x79: {  	_ =	shalt  }
0x7a: {  	_ =	shalt  }
0x7b: {  	_ =	shalt  }
0x7c: {  	_ =	shalt  }
0x7d: {  	_ =	shalt  }
0x7e: {  	_ =	shalt  }
0x7f: {  	_ =	shalt  }
0x80: {  	_ =	shalt  }
0x81: {  	_ =	shalt  }
0x82: {  	_ =	shalt  }
0x83: {  	_ =	shalt  }
0x84: {  	_ =	shalt  }
0x85: {  	_ =	shalt  }
0x86: {  	_ =	shalt  }
0x87: {  	_ =	shalt  }
.Lfunc_end0:
.L_simem_size_0:
called_computation.1_lowered:
.L_overlay_start_0:
0x88: {  	s2 =	sld [smem:$0x3FD9]  }
0x89: {  	s3 =	sld [smem:$0x3FFE];
	_ =	sdelay $0x1  }
0x8a: {  	s1 =	srdreg.scid  }
0x8b: {  	s0 =	sand.u32 $0x1, s1  }
0x8c: {  	s17 =	sshll.u32 s0, $0xA;
	s2 =	sadd.s32 s3, s2  }
0x8d: {  	s2 =	sadd.s32 s2, s17  }
0x8e: {  	[smem:$0x3FAD] =	sst s2  }
0x8f: {  	_ = 	snop  }
0x90: {  	s18 =	sld [smem:$0x3FC9];
	(tm) =	ssettm $0x1  }
0x91: {  	s19 =	sld [smem:$0x3FFB];
	_ =	sdelay $0x3  }
0x92: {  	_ =	strace s19  }
0x93: {  	s2 =	sld [smem:$0x3FFC];
	_ =	sdelay $0x3  }
0x94: {  	_ =	strace s2  }
0x95: {  	s2 =	sld [smem:$0x3FFD];
	_ =	sdelay $0x3  }
0x96: {  	_ =	strace s2  }
0x97: {  	_ =	strace $0x8FFFFFFF  }
0x98: {  	s20 =	sld [smem:$0x3FDB];
	_ =	sdelay $0x1  }
0x99: {  	s4 =	simm.s32 $_scs_section_size  }
0x9a: {  	s5 =	simm.s32 $_size__tile_overlayer_lowered;
	s6 =	simm.s32 $_tile_overlayer_lowered  }
0x9b: {  	s7 =	simm.s32 $0x1BFF;
	s21 =	sshll.u32 s6, $0x1;
	s4 =	sadd.s32 s4, s20  }
0x9c: {  	s22 =	simm.s32 $0x0;
	s5 =	sshll.u32 s5, $0x1;
	s6 =	sadd.s32 s21, s4  }
0x9d: {  	[timem:s22], [sflag:s7] =	dma.local [hbm:s6], s5  }
0x9e: {  	_ =	swait.ge [sflag:s7], s5  }
0x9f: {  	s5 =	ssub.s32 $0x0, s5;
	[sflag:s7] =	ssyncset.done $0x0  }
0xa0: {  	[sflag:s7] =	ssyncadd.s32 s5;
	_ =	sdelay $0x1  }
0xa1: {  	s23 =	simm.s32 $0x1B8B  }
0xa2: {  	_ =	swait.ge [sflag:s23], $0x1  }
0xa3: {  	[sflag:s23] =	ssyncset.done $0x0  }
0xa4: {  	[sflag:s23] =	ssyncadd.s32 $0xFFFFFFFF  }
0xa5: {  	s5 =	sld [smem:$0x0]  }
0xa6: {  	s6 =	sand.u32 $0xFFFFFFFE, s1  }
0xa7: {  	p0 =	sne.s32 s1, s6  }
0xa8: {  	s6 =	sshll.u32 @p0 s6, $0xE  }
0xa9: {  	s6 =	sadd.s32 @p0 $0x11B8D, s6;
	s7 =	sshll.u32 @p0 s5, $0x11  }
0xaa: {  	s6 =	sor.u32 @p0 s7, s6  }
0xab: {  	[sflag:s6] =	ssyncadd.remote.s32 @p0 $0x1;
	_ =	sdelay $0x1  }
0xac: {  	s6 =	simm.s32 @p0 $0x1B8D  }
0xad: {  	_ =	swait.eq @p0 [sflag:s6], $0x1  }
0xae: {  	[sflag:s6] =	ssyncadd.s32 @p0 $0xFFFFFFFF  }
0xaf: {  	s7 =	sshll.u32 @!p0 s1, $0xE  }
0xb0: {  	s7 =	sor.u32 @!p0 $0x4000, s7;
	s6 =	simm.s32 @!p0 $0x1B8D  }
0xb1: {  	s5 =	sshll.u32 @!p0 s5, $0x11;
	s7 =	sadd.s32 @!p0 $0x11B8D, s7;
	_ =	swait.eq @!p0 [sflag:s6], $0x1  }
0xb2: {  	s5 =	sor.u32 @!p0 s5, s7;
	[sflag:s6] =	ssyncadd.s32 @!p0 $0xFFFFFFFF  }
0xb3: {  	s25 =	simm.s32 $0x1B8E;
	s24 =	sld [smem:$0x3FFE];
	[sflag:s5] =	ssyncadd.remote.s32 @!p0 $0x1  }
0xb4: {  	s26 =	simm.s32 $execute0_lowered;
	[smem:$0x3FD2] =	sst s25  }
0xb5: {  	s6 =	sshll.u32 s26, $0x1;
	_ =	strace $0x80000049;
	[dreg:$0x1] =	wrdreg $0xFFFFFFFF  }
0xb6: {  	s28 =	simm.s32 $_size_execute0_lowered;
	s4 =	sadd.s32 s4, s6;
	[dreg:$0x0] =	wrdreg $0x0  }
0xb7: {  	s6 =	sshll.u32 s28, $0x1;
	[dreg:$0x2] =	wrdreg s4  }
0xb8: {  	[dreg:$0x3] =	wrdreg s6  }
0xb9: {  	[dreg:$0x4] =	wrdreg $0xC0  }
0xba: {  	_ =	task [dreg:s22], $0x5FFFF  }
0xbb: {  	[dreg:$0x1] =	wrdreg $0xFFFFFFFF  }
0xbc: {  	[dreg:$0x0] =	wrdreg $0x60  }
0xbd: {  	[dreg:$0x2] =	wrdreg s18  }
0xbe: {  	[dreg:$0x3] =	wrdreg s24  }
0xbf: {  	[dreg:$0x4] =	wrdreg $0xA  }
0xc0: {  	_ =	task.clear_ibuf [dreg:s22], $0x5FFFF;
	_ =	strace $0x90000049  }
0xc1: {  	s29 =	simm.s32 $0xA;
	_ =	strace $0x8000004B  }
0xc2: {  	_ =	swait.ge [sflag:s29], $0x1  }
0xc3: {  	[sflag:s29] =	ssyncadd.s32 $0xFFFFFFFF  }
0xc4: {  	_ =	strace $0x9000004B  }
0xc5: {  	_ =	sfence  }
0xc6: {  	s30 =	sld [smem:$0x0];
	_ =	sdelay $0x2  }
0xc7: {  	s31 =	sshll.u32 s1, $0xD;
	s1 =	sshrl.u32 s1, $0x2  }
0xc8: {  	s4 =	sand.u32 $0x4000, s31;
	s1 =	sadd.s32 s1, s30  }
0xc9: {  	s0 =	sor.u32 s4, s0;
	s1 =	sshll.u32 s1, $0x11  }
0xca: {  	s0 =	sor.u32 s1, s0  }
0xcb: {  	s0 =	sadd.s32 $0x8F2B, s0  }
0xcc: {  	[sflag:s0] =	ssyncadd.remote.s32 $0x1  }
0xcd: {  	_ =	sfence.sel $0xFFFF  }
0xce: {  	[dreg:$0x0] =	wrdreg $0xFFFFFFFF;
	(pc) =	sbr.abs _section_cstart, $3  }
0xcf: {  	[dreg:$0x1] =	wrdreg $0xFFFFFFFF  }
0xd0: {  	_ =	task.clear_ibuf [dreg:s22], $0x2FFFF;
	_ =	strace $0x9FFFFFFF  }
0xd1: {  	(tm) =	ssettm $0x7FFFFFFF  }
tec
execute0_lowered:
.L_overlay_start_1:
0x0: {  	(tag) =	ssettag $0x1  }
0x1: {  	s2 =	rddreg [dreg:$0x0];
	s1 =	srdreg.scid  }
0x2: {  	s0 =	stileid.u32;
	s4 =	rddreg [dreg:$0x1]  }
0x3: {  	s3 =	simm.s32 $0x0;
	s10 =	simm.s32 $0x80;
	s11 =	simm.s32 $0x50  }
0x4: {  	s12 =	simm.s32 $0x100;
	s13 =	simm.s32 $0x2900;
	s6 =	smul.u32 $0x26C0, s0  }
0x5: {  	s14 =	simm.s32 $0x1;
	s5 =	sand.u32 $0x1, s1;
	s8 =	smul.u32 $0x26C00, s0  }
0x6: {  	s15 =	simm.s32 $0x2;
	s1 =	rddreg [dreg:$0x2];
	s7 =	smul.u32 $0x1360, s5  }
0x7: {  	s16 =	simm.s32 $0x0;
	[smem:$0x7FF] =	sst s3;
	s9 =	smul.u32 $0x13600, s5  }
0x8: {  	_ =	strace $0x8000004A;
	s5 =	ssub.s32 $0x2, s5;
	s29 =	sadd.s32 s8, s4  }
0x9: {  	s30 =	sshrl.u32 s5, $0x1;
	s6 =	sadd.s32 s7, s6;
	s7 =	sadd.s32 s9, s29  }
0xa: {  	s5 =	ssub.s32 s5, s30;
	s9 =	simm.s32 $0x3;
	s6 =	sshrl.u32 s6, $0x3  }
0xb: {  	s31 =	sadd.s32 s6, s4;
	s4 =	sadd.s32 $0x505400, s7;
	s6 =	sadd.s32 $0x771400, s7  }
0xc: {  	s5 =	smax.u32 s5, $0x1;
	s7 =	sadd.s32 $0x500600, s31;
	s8 =	sadd.s32 $0x4FB800, s31  }
.LBB2_1:
0xd: {  	s17 =	sadd.s32 $0x0, s8  }
0xe: {  	[tilespmem:s3], [sflag:$0x3] =	stream.linear.gather [hbm4b:s17+s3], $0x50, $0x38;
	[tilespmem:$0x5100] =	vst v63  }
0xf: {  	_ =	swait.ge [sflag:s9], $0x50  }
0x10: {  	[sflag:s9] =	ssyncset.done $0x0  }
0x11: {  	s31 =	sadd.s32 $0x0, s7;
	[sflag:s9] =	ssyncadd.s32 $0xFFFFFFB0  }
0x12: {  	[tilespmem:s10], [sflag:$0x3] =	stream.linear.gather [hbm4b:s31+s3], $0x50, $0x38;
	[tilespmem:$0x5100] =	vst v63  }
0x13: {  	_ =	swait.ge [sflag:s9], $0x50  }
0x14: {  	[sflag:s9] =	ssyncset.done $0x0  }
0x15: {  	[sflag:s9] =	ssyncadd.s32 $0xFFFFFFB0  }
0x16: {  	[tilespmem:s12], [sflag:$0x1] =	stream.indirect.gather [hbm4b:s2+s11], $0x80, s3, s11, $0xb8;
	[tilespmem:$0x5100] =	vst v63  }
0x17: {  	_ = 	snop  }
0x18: {  	[tilespmem:s13], [sflag:$0x2] =	stream.indirect.gather [hbm4b:s2+s11], $0x80, s10, s11, $0xb8;
	[tilespmem:$0x5100] =	vst v63  }
0x19: {  	_ =	swait.ge [sflag:s14], $0x2800  }
0x1a: {  	[sflag:s14] =	ssyncset.done $0x0  }
0x1b: {  	[sflag:s14] =	ssyncadd.s32 $0xFFFFD800  }
0x1c: {  	_ =	swait.ge [sflag:s15], $0x2800  }
0x1d: {  	[sflag:s15] =	ssyncset.done $0x0  }
0x1e: {  	[sflag:s15] =	ssyncadd.s32 $0xFFFFD800  }
0x1f: {  	[hbm4b:s4+s3] =	stream.linear.scatter [tilespmem:s12], [sflag:$0x3], $0x2800, $0x38;
	[tilespmem:$0x5100] =	vst v63  }
0x20: {  	_ =	swait.ge [sflag:s9], $0x2800  }
0x21: {  	[sflag:s9] =	ssyncset.done $0x0  }
0x22: {  	[sflag:s9] =	ssyncadd.s32 $0xFFFFD800  }
0x23: {  	[hbm4b:s6+s3] =	stream.linear.scatter [tilespmem:s13], [sflag:$0x3], $0x2800, $0x38;
	[tilespmem:$0x5100] =	vst v63  }
0x24: {  	s19 =	simm.s32 $0xA;
	s20 =	simm.s32 $0x14;
	_ =	swait.ge [sflag:s9], $0x2800  }
0x25: {  	s18 =	sadd.s32 $0x500, s4;
	s17 =	sadd.s32 $0x500, s6;
	[sflag:s9] =	ssyncset.done $0x0  }
.LBB2_2:
0x26: {  	s21 =	sadd.s32 s19, s8  }
0x27: {  	[sflag:s9] =	ssyncadd.s32 $0xFFFFD800;
	s22 =	smov.u32 s20;
	s23 =	sadd.s32 $0xA, s20  }
0x28: {  	[tilespmem:s3], [sflag:$0x3] =	stream.linear.gather [hbm4b:s21+s3], $0x50, $0x38;
	[tilespmem:$0x5100] =	vst v63  }
0x29: {  	p0 =	sne.s32 s20, $0x262;
	_ =	swait.ge [sflag:s9], $0x50  }
0x2a: {  	[sflag:s9] =	ssyncset.done $0x0  }
0x2b: {  	s20 =	sadd.s32 s19, s7;
	s19 =	smov.u32 s22;
	[sflag:s9] =	ssyncadd.s32 $0xFFFFFFB0  }
0x2c: {  	[tilespmem:s10], [sflag:$0x3] =	stream.linear.gather [hbm4b:s20+s3], $0x50, $0x38;
	[tilespmem:$0x5100] =	vst v63  }
0x2d: {  	_ =	swait.ge [sflag:s9], $0x50  }
0x2e: {  	[sflag:s9] =	ssyncset.done $0x0  }
0x2f: {  	[sflag:s9] =	ssyncadd.s32 $0xFFFFFFB0  }
0x30: {  	[tilespmem:s12], [sflag:$0x1] =	stream.indirect.gather [hbm4b:s2+s11], $0x80, s3, s11, $0xb8;
	[tilespmem:$0x5100] =	vst v63  }
0x31: {  	_ = 	snop  }
0x32: {  	[tilespmem:s13], [sflag:$0x2] =	stream.indirect.gather [hbm4b:s2+s11], $0x80, s10, s11, $0xb8;
	[tilespmem:$0x5100] =	vst v63  }
0x33: {  	_ =	swait.ge [sflag:s14], $0x2800  }
0x34: {  	[sflag:s14] =	ssyncset.done $0x0  }
0x35: {  	[sflag:s14] =	ssyncadd.s32 $0xFFFFD800  }
0x36: {  	_ =	swait.ge [sflag:s15], $0x2800  }
0x37: {  	[sflag:s15] =	ssyncset.done $0x0  }
0x38: {  	[sflag:s15] =	ssyncadd.s32 $0xFFFFD800  }
0x39: {  	[hbm4b:s18+s3] =	stream.linear.scatter [tilespmem:s12], [sflag:$0x3], $0x2800, $0x38;
	[tilespmem:$0x5100] =	vst v63  }
0x3a: {  	_ =	swait.ge [sflag:s9], $0x2800  }
.Ltmp0:
0x3b: {  	[sflag:s9] =	ssyncset.done $0x0;
	(pc) =	sbr.rel @p0 .LBB2_2-.Ltmp0, $4  }
0x3c: {  	[sflag:s9] =	ssyncadd.s32 $0xFFFFD800  }
0x3d: {  	[hbm4b:s17+s3] =	stream.linear.scatter [tilespmem:s13], [sflag:$0x3], $0x2800, $0x38;
	[tilespmem:$0x5100] =	vst v63  }
0x3e: {  	s20 =	smov.u32 s23;
	_ =	swait.ge [sflag:s9], $0x2800  }
0x3f: {  	s18 =	sadd.s32 $0x500, s18;
	s17 =	sadd.s32 $0x500, s17;
	[sflag:s9] =	ssyncset.done $0x0  }
0x40: {  	s20 =	sadd.s32 s19, s8;
	[sflag:s9] =	ssyncadd.s32 $0xFFFFD800  }
0x41: {  	[tilespmem:s3], [sflag:$0x3] =	stream.linear.gather [hbm4b:s20+s3], $0x50, $0x38;
	[tilespmem:$0x5100] =	vst v63  }
0x42: {  	_ =	swait.ge [sflag:s9], $0x50  }
0x43: {  	[sflag:s9] =	ssyncset.done $0x0  }
0x44: {  	s31 =	sadd.s32 s19, s7;
	[sflag:s9] =	ssyncadd.s32 $0xFFFFFFB0  }
0x45: {  	[tilespmem:s10], [sflag:$0x3] =	stream.linear.gather [hbm4b:s31+s3], $0x50, $0x38;
	[tilespmem:$0x5100] =	vst v63  }
0x46: {  	_ =	swait.ge [sflag:s9], $0x50  }
0x47: {  	[sflag:s9] =	ssyncset.done $0x0  }
0x48: {  	[sflag:s9] =	ssyncadd.s32 $0xFFFFFFB0  }
0x49: {  	[tilespmem:s12], [sflag:$0x1] =	stream.indirect.gather [hbm4b:s2+s11], $0x80, s3, s11, $0xb8;
	[tilespmem:$0x5100] =	vst v63  }
0x4a: {  	_ = 	snop  }
0x4b: {  	[tilespmem:s13], [sflag:$0x2] =	stream.indirect.gather [hbm4b:s2+s11], $0x80, s10, s11, $0xb8;
	[tilespmem:$0x5100] =	vst v63  }
0x4c: {  	_ =	swait.ge [sflag:s14], $0x2800  }
0x4d: {  	[sflag:s14] =	ssyncset.done $0x0  }
0x4e: {  	[sflag:s14] =	ssyncadd.s32 $0xFFFFD800  }
0x4f: {  	_ =	swait.ge [sflag:s15], $0x2800  }
0x50: {  	[sflag:s15] =	ssyncset.done $0x0  }
0x51: {  	[sflag:s15] =	ssyncadd.s32 $0xFFFFD800  }
0x52: {  	[hbm4b:s18+s3] =	stream.linear.scatter [tilespmem:s12], [sflag:$0x3], $0x2800, $0x38;
	[tilespmem:$0x5100] =	vst v63  }
0x53: {  	s16 =	sadd.s32 $0x1, s16;
	_ =	swait.ge [sflag:s9], $0x2800  }
0x54: {  	p0 =	sne.s32 s16, s5;
	[sflag:s9] =	ssyncset.done $0x0  }
.Ltmp1:
0x55: {  	[sflag:s9] =	ssyncadd.s32 $0xFFFFD800;
	(pc) =	sbr.rel @p0 .LBB2_1-.Ltmp1, $4  }
0x56: {  	[hbm4b:s17+s3] =	stream.linear.scatter [tilespmem:s13], [sflag:$0x3], $0x2800, $0x38;
	[tilespmem:$0x5100] =	vst v63  }
0x57: {  	_ =	swait.ge [sflag:s9], $0x2800  }
0x58: {  	[sflag:s9] =	ssyncset.done $0x0  }
0x59: {  	[sflag:s9] =	ssyncadd.s32 $0xFFFFD800  }
0x5a: {  	_ =	sfence.sel $0x180000  }
0x5b: {  	[bflag:$0x0] =	sbarrier.arrive $0xFFFF  }
0x5c: {  	p0 =	sne.s32 s0, $0x0;
	_ =	strace $0x9000004A  }
0x5d: {  	s0 =	sadd.s32 @!p0 $0x100000, s1;
	[bflag:$0x2] =	sbarrier.arrive $0xFFFF  }
0x5e: {  	[sflag:s0] =	ssyncadd.tile.s32 @!p0 $0x1;
	_ =	shalt  }
.Lfunc_end2:
_tile_overlayer_lowered:
.L_overlay_start_2:
0x5f: {  	(tag) =	ssettag $0x2  }
0x60: {  	s0 =	rddreg [dreg:$0x0];
	s2 =	stileid.u32  }
0x61: {  	s1 =	rddreg [dreg:$0x1];
	p0 =	sne.s32 s2, $0x0  }
0x62: {  	s3 =	rddreg [dreg:$0x2];
	[bflag:$0x3] =	sbarrier.arrive $0xFFFF;
	s2 =	simm.s32 @!p0 $0x1C03  }
0x63: {  	[timem:s3], [sflag:s2] =	dma.local @!p0 [hbm:s0], s1  }
0x64: {  	s0 =	simm.s32 @!p0 $0x3  }
0x65: {  	_ =	swait.ge @!p0 [sflag:s0], s1  }
0x66: {  	s1 =	ssub.s32 @!p0 $0x0, s1;
	[sflag:s0] =	ssyncset.done @!p0 $0x0  }
0x67: {  	[sflag:s0] =	ssyncadd.s32 @!p0 s1  }
0x68: {  	[bflag:$0x3] =	sbarrier.arrive $0xFFFF  }
0x69: {  	_ =	shalt  }

// kernel: kernel.14.cloned.1.call-start
scs
__scs_entry_jumppad:
0x0: {  	(pc) =	sbr.rel $0x88, $3  }
0x1: {  	(tag) =	ssettag $0x0;
	lr =	simm.s32 $0x1  }
0x2: {  	[smem:$0x3F86] =	sst lr;
	_ =	strace $0xD0000000  }
0x3: {  	_ = 	snop  }
0x4: {  	_ = 	snop  }
0x5: {  	_ = 	snop  }
0x6: {  	_ = 	snop  }
0x7: {  	_ = 	snop  }
__scs_overlays_trampoline_lowered:
0x8: {  	[smem:$0x3F95] =	sst s0  }
0x9: {  	[smem:$0x3F96] =	sst s1  }
0xa: {  	[smem:$0x3F97] =	sst s2  }
0xb: {  	[smem:$0x3F98] =	sst s3  }
0xc: {  	[smem:$0x3F99] =	sst s4  }
0xd: {  	[smem:$0x3F9A] =	sst s5  }
0xe: {  	[smem:$0x3F9B] =	sst s6  }
0xf: {  	[smem:$0x3F9C] =	sst s7  }
0x10: {  	[smem:$0x3F9D] =	sst s8  }
0x11: {  	[smem:$0x3F9E] =	sst s9;
	s0 =	simm.s32 @!p0 $0x0  }
0x12: {  	s1 =	sld [smem:$0x3F84];
	s0 =	simm.s32 @p0 $0x1  }
0x13: {  	[smem:$0x3F9F] =	sst s0;
	s0 =	simm.s32 @!p1 $0x0  }
0x14: {  	s2 =	sld [smem:$0x3F83];
	s0 =	simm.s32 @p1 $0x1  }
0x15: {  	[smem:$0x3FA0] =	sst s0;
	s0 =	simm.s32 @!p2 $0x0  }
0x16: {  	s3 =	sld [smem:$0x3FDB];
	s0 =	simm.s32 @p2 $0x1  }
0x17: {  	s4 =	simm.s32 $0x1BF5;
	[smem:$0x3FA2] =	sst s0  }
0x18: {  	s0 =	sld [smem:$0x3F85];
	_ =	swait.ge [sflag:s4], $0x0  }
0x19: {  	s7 =	sld [smem:$0x3F86]  }
0x1a: {  	s8 =	sadd.s32 $0xFFFFE003, lr  }
0x1b: {  	s9 =	sadd.s32 $0xFFFFFEF7, lr;
	s5 =	simm.s32 $0xFFFFFFFF;
	p2 =	slt.u32 s8, $0xFFFFF086  }
0x1c: {  	p1 =	slt.u32 s9, $0xF7A;
	s5 =	simm.s32 @!p2 $0x0  }
0x1d: {  	s5 =	simm.s32 @p1 $0x1;
	p0 =	seq.s32 s7, s2  }
0x1e: {  	s7 =	smul.u32 @!p0 $0xF7A, s2;
	p2 =	seq.s32 @!p0 s5, $0x0  }
0x1f: {  	s9 =	smul.u32 $0xF7A, s1;
	s8 =	simm.s32 @!p0 $0x1BF5;
	p2 =	por !p2, p0  }
0x20: {  	[sflag:s8] =	ssyncset.s32 @!p0 $0xFFFFF086;
	s6 =	sadd.s32 @!p0 s3, s7;
	s7 =	simm.s32 @!p0 $0x108  }
0x21: {  	s3 =	sadd.s32 s3, s9;
	s6 =	sadd.s32 @!p0 $0x88, s6;
	s7 =	simm.s32 @p2 $0x1082  }
0x22: {  	[simem:s7], [sflag:s8] =	dma.local @!p0 [hbm:s6], $0xF7A  }
0x23: {  	s9 =	sor.u32 $0xD0000000, s2;
	s6 =	simm.s32 $0x108;
	_ =	swait.ge @!p0 [sflag:s8], $0x0  }
0x24: {  	s3 =	sadd.s32 $0x88, s3;
	s6 =	simm.s32 @!p1 $0x1082;
	[sflag:s4] =	ssyncset.s32 $0xFFFFF086  }
0x25: {  	[simem:s6], [sflag:s4] =	dma.local [hbm:s3], $0xF7A  }
0x26: {  	[smem:$0x3F86] =	sst s1;
	(tag) =	ssettag s2;
	_ =	strace s9  }
0x27: {  	s1 =	sld [smem:$0x3F96]  }
0x28: {  	s2 =	sld [smem:$0x3F97]  }
0x29: {  	s4 =	sld [smem:$0x3F99]  }
0x2a: {  	p0 =	seq.s32 s5, $0x0;
	s5 =	sld [smem:$0x3F9A]  }
0x2b: {  	s6 =	sld [smem:$0x3F9B]  }
0x2c: {  	s7 =	sld [smem:$0x3F9C]  }
0x2d: {  	s3 =	simm.s32 $0x108;
	s8 =	sld [smem:$0x3F9D]  }
0x2e: {  	s3 =	simm.s32 @!p0 $0x1082;
	s9 =	sld [smem:$0x3F9E]  }
0x2f: {  	lr =	sadd.s32 s0, s3;
	s0 =	sld [smem:$0x3F95]  }
0x30: {  	s3 =	sld [smem:$0x3F98]  }
0x31: {  	[smem:$0x3FA1] =	sst s10  }
0x32: {  	s10 =	sld [smem:$0x3F9F];
	_ =	sdelay $0x3  }
0x33: {  	p0 =	seq.s32 s10, $0x1;
	s10 =	sld [smem:$0x3FA1];
	_ =	sdelay $0x3  }
0x34: {  	[smem:$0x3FA1] =	sst s10  }
0x35: {  	s10 =	sld [smem:$0x3FA0];
	_ =	sdelay $0x3  }
0x36: {  	p1 =	seq.s32 s10, $0x1;
	s10 =	sld [smem:$0x3FA1];
	_ =	sdelay $0x3  }
0x37: {  	[smem:$0x3FA1] =	sst s10  }
0x38: {  	s10 =	sld [smem:$0x3FA2]  }
0x39: {  	_ = 	snop;
	(pc) =	sbr.ind lr, $3  }
0x3a: {  	_ = 	snop  }
0x3b: {  	_ = 	snop  }
0x3c: {  	p2 =	seq.s32 s10, $0x1;
	s10 =	sld [smem:$0x3FA1]  }
0x3d: {  	_ =	shalt  }
0x3e: {  	_ =	shalt  }
0x3f: {  	_ =	shalt  }
0x40: {  	_ =	shalt  }
0x41: {  	_ =	shalt  }
0x42: {  	_ =	shalt  }
0x43: {  	_ =	shalt  }
0x44: {  	_ =	shalt  }
0x45: {  	_ =	shalt  }
0x46: {  	_ =	shalt  }
0x47: {  	_ =	shalt  }
0x48: {  	_ =	shalt  }
0x49: {  	_ =	shalt  }
0x4a: {  	_ =	shalt  }
0x4b: {  	_ =	shalt  }
0x4c: {  	_ =	shalt  }
0x4d: {  	_ =	shalt  }
0x4e: {  	_ =	shalt  }
0x4f: {  	_ =	shalt  }
0x50: {  	_ =	shalt  }
0x51: {  	_ =	shalt  }
0x52: {  	_ =	shalt  }
0x53: {  	_ =	shalt  }
0x54: {  	_ =	shalt  }
0x55: {  	_ =	shalt  }
0x56: {  	_ =	shalt  }
0x57: {  	_ =	shalt  }
0x58: {  	_ =	shalt  }
0x59: {  	_ =	shalt  }
0x5a: {  	_ =	shalt  }
0x5b: {  	_ =	shalt  }
0x5c: {  	_ =	shalt  }
0x5d: {  	_ =	shalt  }
0x5e: {  	_ =	shalt  }
0x5f: {  	_ =	shalt  }
0x60: {  	_ =	shalt  }
0x61: {  	_ =	shalt  }
0x62: {  	_ =	shalt  }
0x63: {  	_ =	shalt  }
0x64: {  	_ =	shalt  }
0x65: {  	_ =	shalt  }
0x66: {  	_ =	shalt  }
0x67: {  	_ =	shalt  }
0x68: {  	_ =	shalt  }
0x69: {  	_ =	shalt  }
0x6a: {  	_ =	shalt  }
0x6b: {  	_ =	shalt  }
0x6c: {  	_ =	shalt  }
0x6d: {  	_ =	shalt  }
0x6e: {  	_ =	shalt  }
0x6f: {  	_ =	shalt  }
0x70: {  	_ =	shalt  }
0x71: {  	_ =	shalt  }
0x72: {  	_ =	shalt  }
0x73: {  	_ =	shalt  }
0x74: {  	_ =	shalt  }
0x75: {  	_ =	shalt  }
0x76: {  	_ =	shalt  }
0x77: {  	_ =	shalt  }
0x78: {  	_ =	shalt  }
0x79: {  	_ =	shalt  }
0x7a: {  	_ =	shalt  }
0x7b: {  	_ =	shalt  }
0x7c: {  	_ =	shalt  }
0x7d: {  	_ =	shalt  }
0x7e: {  	_ =	shalt  }
0x7f: {  	_ =	shalt  }
0x80: {  	_ =	shalt  }
0x81: {  	_ =	shalt  }
0x82: {  	_ =	shalt  }
0x83: {  	_ =	shalt  }
0x84: {  	_ =	shalt  }
0x85: {  	_ =	shalt  }
0x86: {  	_ =	shalt  }
0x87: {  	_ =	shalt  }
.Lfunc_end0:
.L_simem_size_0:
called_computation.2_lowered:
.L_overlay_start_0:
0x88: {  	s2 =	sld [smem:$0x3FD9]  }
0x89: {  	s3 =	sld [smem:$0x3FFE];
	_ =	sdelay $0x1  }
0x8a: {  	s1 =	srdreg.scid  }
0x8b: {  	s0 =	sand.u32 $0x1, s1  }
0x8c: {  	s17 =	sshll.u32 s0, $0xA;
	s2 =	sadd.s32 s3, s2  }
0x8d: {  	s2 =	sadd.s32 s2, s17  }
0x8e: {  	[smem:$0x3FAD] =	sst s2  }
0x8f: {  	_ = 	snop  }
0x90: {  	s2 =	sld [smem:$0x3FD0];
	(tm) =	ssettm $0x1  }
0x91: {  	s18 =	sld [smem:$0x3FFB];
	_ =	sdelay $0x3  }
0x92: {  	_ =	strace s18  }
0x93: {  	s3 =	sld [smem:$0x3FFC];
	_ =	sdelay $0x3  }
0x94: {  	_ =	strace s3  }
0x95: {  	s3 =	sld [smem:$0x3FFD];
	_ =	sdelay $0x3  }
0x96: {  	_ =	strace s3  }
0x97: {  	_ =	strace $0x8FFFFFFF  }
0x98: {  	s19 =	sld [smem:$0x3FDB];
	_ =	sdelay $0x1  }
0x99: {  	s4 =	simm.s32 $_scs_section_size  }
0x9a: {  	s5 =	simm.s32 $_size__tile_overlayer_lowered;
	s6 =	simm.s32 $_tile_overlayer_lowered  }
0x9b: {  	s22 =	simm.s32 $0x1BFF;
	s21 =	sshll.u32 s6, $0x1;
	s3 =	sadd.s32 s4, s19  }
0x9c: {  	s7 =	simm.s32 $0x0;
	s20 =	sshll.u32 s5, $0x1;
	s5 =	sadd.s32 s21, s3  }
0x9d: {  	[timem:s7], [sflag:s22] =	dma.local [hbm:s5], s20  }
0x9e: {  	_ =	swait.ge [sflag:s22], s20  }
0x9f: {  	s4 =	ssub.s32 $0x0, s20;
	[sflag:s22] =	ssyncset.done $0x0  }
0xa0: {  	[sflag:s22] =	ssyncadd.s32 s4;
	_ =	sdelay $0x1  }
0xa1: {  	s23 =	simm.s32 $0x1B8B  }
0xa2: {  	_ =	swait.ge [sflag:s23], $0x1  }
0xa3: {  	[sflag:s23] =	ssyncset.done $0x0  }
0xa4: {  	s25 =	simm.s32 $0x1B8E;
	s24 =	sld [smem:$0x3FFE];
	[sflag:s23] =	ssyncadd.s32 $0xFFFFFFFF  }
0xa5: {  	s26 =	simm.s32 $execute0_lowered;
	[smem:$0x3FD2] =	sst s25  }
0xa6: {  	s5 =	sshll.u32 s26, $0x1;
	_ =	strace $0x8000004C;
	[dreg:$0x1] =	wrdreg $0xFFFFFFFF  }
0xa7: {  	s28 =	simm.s32 $_size_execute0_lowered;
	s3 =	sadd.s32 s3, s5;
	[dreg:$0x0] =	wrdreg $0x0  }
0xa8: {  	s5 =	sshll.u32 s28, $0x1;
	[dreg:$0x2] =	wrdreg s3  }
0xa9: {  	[dreg:$0x3] =	wrdreg s5  }
0xaa: {  	[dreg:$0x4] =	wrdreg $0xC0  }
0xab: {  	_ =	task [dreg:s7], $0x5FFFF  }
0xac: {  	[dreg:$0x1] =	wrdreg $0xFFFFFFFF  }
0xad: {  	[dreg:$0x0] =	wrdreg $0x60  }
0xae: {  	[dreg:$0x2] =	wrdreg s24  }
0xaf: {  	[dreg:$0x3] =	wrdreg s2  }
0xb0: {  	[dreg:$0x4] =	wrdreg $0x50800  }
0xb1: {  	[dreg:$0x5] =	wrdreg $0x9  }
0xb2: {  	_ =	task.clear_ibuf [dreg:s7], $0x6FFFF;
	_ =	strace $0x9000004C  }
0xb3: {  	s29 =	simm.s32 $0x9;
	_ =	strace $0x8000004E  }
0xb4: {  	_ =	swait.ge [sflag:s29], $0x1  }
0xb5: {  	[sflag:s29] =	ssyncadd.s32 $0xFFFFFFFF  }
0xb6: {  	_ =	strace $0x9000004E  }
0xb7: {  	_ =	sfence  }
0xb8: {  	s30 =	sld [smem:$0x0];
	_ =	sdelay $0x2  }
0xb9: {  	s31 =	sshll.u32 s1, $0xD;
	s1 =	sshrl.u32 s1, $0x2  }
0xba: {  	s3 =	sand.u32 $0x4000, s31;
	s1 =	sadd.s32 s1, s30  }
0xbb: {  	s0 =	sor.u32 s3, s0;
	s1 =	sshll.u32 s1, $0x11  }
0xbc: {  	s0 =	sor.u32 s1, s0  }
0xbd: {  	s0 =	sadd.s32 $0x8F2B, s0  }
0xbe: {  	[sflag:s0] =	ssyncadd.remote.s32 $0x1  }
0xbf: {  	_ =	sfence.sel $0xFFFF  }
0xc0: {  	[dreg:$0x0] =	wrdreg $0xFFFFFFFF;
	(pc) =	sbr.abs _section_cstart, $3  }
0xc1: {  	[dreg:$0x1] =	wrdreg $0xFFFFFFFF  }
0xc2: {  	_ =	task.clear_ibuf [dreg:s7], $0x2FFFF;
	_ =	strace $0x9FFFFFFF  }
0xc3: {  	(tm) =	ssettm $0x7FFFFFFF  }
tec
execute0_lowered:
.L_overlay_start_1:
0x0: {  	(tag) =	ssettag $0x1  }
0x1: {  	s0 =	srdreg.scid;
	s4 =	rddreg [dreg:$0x0]  }
0x2: {  	s26 =	stileid.u32;
	s6 =	rddreg [dreg:$0x1]  }
0x3: {  	s2 =	rddreg [dreg:$0x2];
	s3 =	simm.s32 $0x0;
	s28 =	simm.s32 $0x80  }
0x4: {  	s29 =	simm.s32 $0x1;
	s30 =	simm.s32 $0x50;
	s31 =	simm.s32 $0x2880  }
0x5: {  	s0 =	sand.u32 $0x1, s0;
	s1 =	sshll.u32 s26, $0x1;
	[smem:$0x7FF] =	sst s3  }
0x6: {  	s8 =	smul.u32 $0x280, s26;
	s9 =	sshrl.u32 s26, $0x2;
	s10 =	sshll.u32 s26, $0x8  }
0x7: {  	s16 =	smul.u32 $0x50000, s26;
	s17 =	sadd.s32 $0xC49400, s4;
	p0 =	sgt.u32 s26, $0x7  }
0x8: {  	s1 =	sor.u32 s0, s1;
	_ =	strace $0x8000004D;
	s12 =	smul.u32 $0x2800, s0  }
0x9: {  	s11 =	sshll.u32 s0, $0x7;
	s13 =	smul.u32 $0x14000, s9;
	s1 =	sand.u32 $0xF, s1  }
0xa: {  	s0 =	ssub.s32 $0x2, s0;
	s14 =	sor.u32 s11, s10;
	s5 =	smul.u32 $0x27600, s1  }
0xb: {  	s19 =	sshrl.u32 s16, $0x2;
	s21 =	sshrl.u32 s0, $0x1;
	s7 =	smul.u32 $0x26C00, s1  }
0xc: {  	s15 =	sand.u32 $0x380, s14;
	s0 =	ssub.s32 s0, s21;
	s22 =	smul.u32 $0x4D8, s1  }
0xd: {  	s1 =	smul.u32 $0x4EC, s1;
	s24 =	sadd.s32 s5, s4;
	s25 =	sadd.s32 s7, s4  }
0xe: {  	s5 =	sadd.s32 s12, s8;
	s7 =	sor.u32 s13, s15;
	s23 =	sadd.s32 s22, s6  }
0xf: {  	s21 =	sadd.s32 s1, s6;
	s5 =	sshll.u32 s5, $0x4;
	s18 =	sshrl.u32 s7, $0x3  }
0x10: {  	s23 =	sadd.s32 $0x4EC0, s23;
	s20 =	sadd.s32 s5, s4;
	s4 =	sadd.s32 s18, s4  }
0x11: {  	s6 =	sadd.s32 $0x9DD400, s25;
	s5 =	sadd.s32 s19, s2;
	s4 =	sadd.s32 $0xC99A00, s4  }
0x12: {  	s7 =	sadd.s32 $0x2800, s5;
	s8 =	sadd.s32 $0x5000, s5;
	s9 =	sadd.s32 $0x7800, s5  }
0x13: {  	[dreg:$0x4] =	wrdreg s17;
	s10 =	sadd.s32 $0xC49A00, s20;
	s11 =	sadd.s32 $0xC49F00, s20  }
.Ltmp0:
0x14: {  	s12 =	sadd.s32 $0xC4A400, s20;
	s13 =	sadd.s32 $0xA000, s5;
	(pc) =	sbr.rel .LBB2_1-.Ltmp0, $4  }
0x15: {  	s17 =	smax.u32 s0, $0x1;
	s14 =	sadd.s32 $0xC4A900, s20;
	s16 =	sadd.s32 $0xC4AE00, s20  }
0x16: {  	s0 =	simm.s32 $0x0;
	s18 =	sadd.s32 $0xC4B300, s20;
	s19 =	sadd.s32 $0xC4B800, s20  }
0x17: {  	s15 =	sadd.s32 $0xC800, s5;
	s20 =	sadd.s32 $0xC4BD00, s20;
	s22 =	sadd.s32 $0xF000, s5  }
0x18: {  	v0 =	vimm.f32 $0.0e+00;
	v1 =	vimm.f32 $1.000000000e+00;
	s26 =	sadd.s32 $0x11800, s5;
	[dreg:$0x5] =	wrdreg s4;
	s4 =	sadd.s32 $0x13A1400, s24  }
.LBB2_6:
0x19: {  	[bflag:$0x0] =	sbarrier.arrive $0xFFFF  }
0x1a: {  	s24 =	simm.s32 $0x400;
	s1 =	rddreg [dreg:$0x5]  }
0x1b: {  	[hbm4b:s1+s28] =	stream.strided.scatter [tilespmem:s31], [sflag:$0x1], $0x2800, s24, s28, $0x38;
	[tilespmem:$0x19080] =	vst v63  }
0x1c: {  	_ =	swait.ge [sflag:s29], $0x2800  }
0x1d: {  	[sflag:s29] =	ssyncset.done $0x0  }
0x1e: {  	[sflag:s29] =	ssyncadd.s32 $0xFFFFD800  }
0x1f: {  	[tilespmem:s28], [sflag:$0x1] =	stream.linear.gather [spmem:s5], $0x2800, $0x38;
	[tilespmem:$0x19080] =	vst v63  }
0x20: {  	_ =	swait.ge [sflag:s29], $0x2800  }
0x21: {  	[sflag:s29] =	ssyncset.done $0x0  }
0x22: {  	[sflag:s29] =	ssyncadd.s32 $0xFFFFD800  }
0x23: {  	[hbm4b:s10+s3] =	stream.linear.scatter [tilespmem:s28], [sflag:$0x1], $0x2800, $0x38;
	[tilespmem:$0x19080] =	vst v63  }
0x24: {  	_ =	swait.ge [sflag:s29], $0x2800  }
0x25: {  	[sflag:s29] =	ssyncset.done $0x0  }
0x26: {  	[sflag:s29] =	ssyncadd.s32 $0xFFFFD800  }
0x27: {  	[tilespmem:s28], [sflag:$0x1] =	stream.linear.gather [spmem:s7], $0x2800, $0x38;
	[tilespmem:$0x19080] =	vst v63  }
0x28: {  	_ =	swait.ge [sflag:s29], $0x2800  }
0x29: {  	[sflag:s29] =	ssyncset.done $0x0  }
0x2a: {  	[sflag:s29] =	ssyncadd.s32 $0xFFFFD800  }
0x2b: {  	[hbm4b:s11+s3] =	stream.linear.scatter [tilespmem:s28], [sflag:$0x1], $0x2800, $0x38;
	[tilespmem:$0x19080] =	vst v63  }
0x2c: {  	_ =	swait.ge [sflag:s29], $0x2800  }
0x2d: {  	[sflag:s29] =	ssyncset.done $0x0  }
0x2e: {  	[sflag:s29] =	ssyncadd.s32 $0xFFFFD800  }
0x2f: {  	[tilespmem:s28], [sflag:$0x1] =	stream.linear.gather [spmem:s8], $0x2800, $0x38;
	[tilespmem:$0x19080] =	vst v63  }
0x30: {  	_ =	swait.ge [sflag:s29], $0x2800  }
0x31: {  	[sflag:s29] =	ssyncset.done $0x0  }
0x32: {  	[sflag:s29] =	ssyncadd.s32 $0xFFFFD800  }
0x33: {  	[hbm4b:s12+s3] =	stream.linear.scatter [tilespmem:s28], [sflag:$0x1], $0x2800, $0x38;
	[tilespmem:$0x19080] =	vst v63  }
0x34: {  	_ =	swait.ge [sflag:s29], $0x2800  }
0x35: {  	[sflag:s29] =	ssyncset.done $0x0  }
0x36: {  	[sflag:s29] =	ssyncadd.s32 $0xFFFFD800  }
0x37: {  	[tilespmem:s28], [sflag:$0x1] =	stream.linear.gather [spmem:s9], $0x2800, $0x38;
	[tilespmem:$0x19080] =	vst v63  }
0x38: {  	_ =	swait.ge [sflag:s29], $0x2800  }
0x39: {  	[sflag:s29] =	ssyncset.done $0x0  }
0x3a: {  	[sflag:s29] =	ssyncadd.s32 $0xFFFFD800  }
0x3b: {  	[hbm4b:s14+s3] =	stream.linear.scatter [tilespmem:s28], [sflag:$0x1], $0x2800, $0x38;
	[tilespmem:$0x19080] =	vst v63  }
0x3c: {  	_ =	swait.ge [sflag:s29], $0x2800  }
0x3d: {  	[sflag:s29] =	ssyncset.done $0x0  }
0x3e: {  	[sflag:s29] =	ssyncadd.s32 $0xFFFFD800  }
0x3f: {  	[tilespmem:s28], [sflag:$0x1] =	stream.linear.gather [spmem:s13], $0x2800, $0x38;
	[tilespmem:$0x19080] =	vst v63  }
0x40: {  	_ =	swait.ge [sflag:s29], $0x2800  }
0x41: {  	[sflag:s29] =	ssyncset.done $0x0  }
0x42: {  	[sflag:s29] =	ssyncadd.s32 $0xFFFFD800  }
0x43: {  	[hbm4b:s16+s3] =	stream.linear.scatter [tilespmem:s28], [sflag:$0x1], $0x2800, $0x38;
	[tilespmem:$0x19080] =	vst v63  }
0x44: {  	_ =	swait.ge [sflag:s29], $0x2800  }
0x45: {  	[sflag:s29] =	ssyncset.done $0x0  }
0x46: {  	[sflag:s29] =	ssyncadd.s32 $0xFFFFD800  }
0x47: {  	[tilespmem:s28], [sflag:$0x1] =	stream.linear.gather [spmem:s15], $0x2800, $0x38;
	[tilespmem:$0x19080] =	vst v63  }
0x48: {  	_ =	swait.ge [sflag:s29], $0x2800  }
0x49: {  	[sflag:s29] =	ssyncset.done $0x0  }
0x4a: {  	[sflag:s29] =	ssyncadd.s32 $0xFFFFD800  }
0x4b: {  	[hbm4b:s18+s3] =	stream.linear.scatter [tilespmem:s28], [sflag:$0x1], $0x2800, $0x38;
	[tilespmem:$0x19080] =	vst v63  }
0x4c: {  	_ =	swait.ge [sflag:s29], $0x2800  }
0x4d: {  	[sflag:s29] =	ssyncset.done $0x0  }
0x4e: {  	[sflag:s29] =	ssyncadd.s32 $0xFFFFD800  }
0x4f: {  	[tilespmem:s28], [sflag:$0x1] =	stream.linear.gather [spmem:s22], $0x2800, $0x38;
	[tilespmem:$0x19080] =	vst v63  }
0x50: {  	_ =	swait.ge [sflag:s29], $0x2800  }
0x51: {  	[sflag:s29] =	ssyncset.done $0x0  }
0x52: {  	[sflag:s29] =	ssyncadd.s32 $0xFFFFD800  }
0x53: {  	[hbm4b:s19+s3] =	stream.linear.scatter [tilespmem:s28], [sflag:$0x1], $0x2800, $0x38;
	[tilespmem:$0x19080] =	vst v63  }
0x54: {  	_ =	swait.ge [sflag:s29], $0x2800  }
0x55: {  	[sflag:s29] =	ssyncset.done $0x0  }
0x56: {  	[sflag:s29] =	ssyncadd.s32 $0xFFFFD800  }
0x57: {  	[tilespmem:s28], [sflag:$0x1] =	stream.linear.gather [spmem:s26], $0x2800, $0x38;
	[tilespmem:$0x19080] =	vst v63  }
0x58: {  	s0 =	sadd.s32 $0x1, s0;
	_ =	swait.ge [sflag:s29], $0x2800  }
0x59: {  	p1 =	sne.s32 s0, s17;
	[sflag:s29] =	ssyncset.done $0x0  }
.Ltmp1:
0x5a: {  	[sflag:s29] =	ssyncadd.s32 $0xFFFFD800;
	(pc) =	sbr.rel @!p1 .LBB2_7-.Ltmp1, $4  }
0x5b: {  	[hbm4b:s20+s3] =	stream.linear.scatter [tilespmem:s28], [sflag:$0x1], $0x2800, $0x38;
	[tilespmem:$0x19080] =	vst v63  }
0x5c: {  	_ =	swait.ge [sflag:s29], $0x2800  }
0x5d: {  	[sflag:s29] =	ssyncset.done $0x0  }
0x5e: {  	[sflag:s29] =	ssyncadd.s32 $0xFFFFD800  }
.LBB2_1:
0x5f: {  	s1 =	rddreg [dreg:$0x4]  }
0x60: {  	[tilespmem:s28], [sflag:$0x1] =	stream.linear.gather [hbm4b:s1+s3], $0x2800, $0x38;
	[tilespmem:$0x19080] =	vst v63  }
0x61: {  	_ =	swait.ge [sflag:s29], $0x2800  }
0x62: {  	[sflag:s29] =	ssyncset.done $0x0  }
0x63: {  	[sflag:s29] =	ssyncadd.s32 $0xFFFFD800  }
0x64: {  	[spmem:s5] =	stream.linear.scatter [tilespmem:s28], [sflag:$0x1], $0x2800, $0x38;
	[tilespmem:$0x19080] =	vst v63  }
0x65: {  	_ =	swait.ge [sflag:s29], $0x2800  }
0x66: {  	[sflag:s29] =	ssyncset.done $0x0  }
0x67: {  	[sflag:s29] =	ssyncadd.s32 $0xFFFFD800  }
0x68: {  	[spmem:s7] =	stream.linear.scatter [tilespmem:s28], [sflag:$0x1], $0x2800, $0x38;
	[tilespmem:$0x19080] =	vst v63  }
0x69: {  	_ =	swait.ge [sflag:s29], $0x2800  }
0x6a: {  	[sflag:s29] =	ssyncset.done $0x0  }
0x6b: {  	[sflag:s29] =	ssyncadd.s32 $0xFFFFD800  }
0x6c: {  	[spmem:s8] =	stream.linear.scatter [tilespmem:s28], [sflag:$0x1], $0x2800, $0x38;
	[tilespmem:$0x19080] =	vst v63  }
0x6d: {  	_ =	swait.ge [sflag:s29], $0x2800  }
0x6e: {  	[sflag:s29] =	ssyncset.done $0x0  }
0x6f: {  	[sflag:s29] =	ssyncadd.s32 $0xFFFFD800  }
0x70: {  	[spmem:s9] =	stream.linear.scatter [tilespmem:s28], [sflag:$0x1], $0x2800, $0x38;
	[tilespmem:$0x19080] =	vst v63  }
0x71: {  	_ =	swait.ge [sflag:s29], $0x2800  }
0x72: {  	[sflag:s29] =	ssyncset.done $0x0  }
0x73: {  	[sflag:s29] =	ssyncadd.s32 $0xFFFFD800  }
0x74: {  	[spmem:s13] =	stream.linear.scatter [tilespmem:s28], [sflag:$0x1], $0x2800, $0x38;
	[tilespmem:$0x19080] =	vst v63  }
0x75: {  	_ =	swait.ge [sflag:s29], $0x2800  }
0x76: {  	[sflag:s29] =	ssyncset.done $0x0  }
0x77: {  	[sflag:s29] =	ssyncadd.s32 $0xFFFFD800  }
0x78: {  	[spmem:s15] =	stream.linear.scatter [tilespmem:s28], [sflag:$0x1], $0x2800, $0x38;
	[tilespmem:$0x19080] =	vst v63  }
0x79: {  	_ =	swait.ge [sflag:s29], $0x2800  }
0x7a: {  	[sflag:s29] =	ssyncset.done $0x0  }
0x7b: {  	[sflag:s29] =	ssyncadd.s32 $0xFFFFD800  }
0x7c: {  	[spmem:s22] =	stream.linear.scatter [tilespmem:s28], [sflag:$0x1], $0x2800, $0x38;
	[tilespmem:$0x19080] =	vst v63  }
0x7d: {  	_ =	swait.ge [sflag:s29], $0x2800  }
0x7e: {  	[sflag:s29] =	ssyncset.done $0x0  }
0x7f: {  	[sflag:s29] =	ssyncadd.s32 $0xFFFFD800  }
0x80: {  	[spmem:s26] =	stream.linear.scatter [tilespmem:s28], [sflag:$0x1], $0x2800, $0x38;
	[tilespmem:$0x19080] =	vst v63  }
0x81: {  	_ =	swait.ge [sflag:s29], $0x2800  }
0x82: {  	[sflag:s29] =	ssyncset.done $0x0  }
0x83: {  	s24 =	simm.s32 $0x0;
	s1 =	simm.s32 $0x40;
	[sflag:s29] =	ssyncadd.s32 $0xFFFFD800  }
.LBB2_2:
0x84: {  	p1 =	sne.s32 s1, $0x9FC0;
	[tilespmem:s24+$0x2880] =	vst v0;
	s24 =	smov.u32 s1;
	s1 =	sadd.s32 $0x40, s1  }
.Ltmp2:
0x85: {  	(pc) =	sbr.rel @p1 .LBB2_2-.Ltmp2, $2  }
0x86: {  	_ =	sdelay $0x2  }
0x87: {  	s24 =	sshra.s32 s24, $0x2  }
.Ltmp3:
0x88: {  	(pc) =	sbr.rel @p0 .LBB2_5-.Ltmp3, $4  }
0x89: {  	_ = 	snop  }
0x8a: {  	[tilespmem:s24+$0x2880] =	vst v0  }
0x8b: {  	[bflag:$0x0] =	sbarrier.arrive $0xFFFF  }
0x8c: {  	s1 =	simm.s32 $0x0;
	s25 =	smov.u32 s4;
	s24 =	smov.u32 s6  }
.LBB2_4:
0x8d: {  	s24 =	sadd.s32 s1, s21  }
0x8e: {  	[tilespmem:s3], [sflag:$0x1] =	stream.linear.gather [hbm4b:s24+s3], $0x50, $0x38;
	[tilespmem:$0x19080] =	vst v63  }
0x8f: {  	_ =	swait.ge [sflag:s29], $0x50  }
0x90: {  	[sflag:s29] =	ssyncset.done $0x0  }
0x91: {  	[sflag:s29] =	ssyncadd.s32 $0xFFFFFFB0  }
0x92: {  	[tilespmem:s28], [sflag:$0x1] =	stream.linear.gather [hbm4b:s25+s3], $0x2800, $0x38;
	[tilespmem:$0x19080] =	vst v63  }
0x93: {  	_ =	swait.ge [sflag:s29], $0x2800  }
0x94: {  	[sflag:s29] =	ssyncset.done $0x0  }
0x95: {  	[sflag:s29] =	ssyncadd.s32 $0xFFFFD800  }
0x96: {  	[spmem:s2] =	stream.indirect.scatter.add.f32 [tilespmem:s28], [sflag:$0x1], $0x80, s3, s30, $0xb8;
	[tilespmem:$0x19080] =	vst v63  }
0x97: {  	_ =	swait.ge [sflag:s29], $0x2800  }
0x98: {  	[sflag:s29] =	ssyncset.done $0x0  }
0x99: {  	[sflag:s29] =	ssyncadd.s32 $0xFFFFD800  }
0x9a: {  	v2 =	vld [tilespmem:$0x0];
	_ =	sdelay $0x7  }
0x9b: {  	[tilespmem:v2+s31+$0x0] =	vst.idx.add.f32.msk $0xffff, v1  }
0x9c: {  	v2 =	vld [tilespmem:$0x10];
	_ =	sdelay $0x7  }
0x9d: {  	[tilespmem:v2+s31+$0x0] =	vst.idx.add.f32.msk $0xffff, v1  }
0x9e: {  	v2 =	vld [tilespmem:$0x20];
	_ =	sdelay $0x7  }
0x9f: {  	[tilespmem:v2+s31+$0x0] =	vst.idx.add.f32.msk $0xffff, v1  }
0xa0: {  	v2 =	vld [tilespmem:$0x30];
	_ =	sdelay $0x7  }
0xa1: {  	[tilespmem:v2+s31+$0x0] =	vst.idx.add.f32.msk $0xffff, v1  }
0xa2: {  	v2 =	vld [tilespmem:$0x40];
	_ =	sdelay $0x2  }
0xa3: {  	p1 =	seq.s32 s1, $0x4E2  }
.Ltmp4:
0xa4: {  	_ = 	snop;
	(pc) =	sbr.rel @!p1 .LBB2_4-.Ltmp4, $2  }
0xa5: {  	_ =	sdelay $0x2  }
0xa6: {  	s1 =	sadd.s32 $0xA, s1;
	s25 =	sadd.s32 $0x500, s25;
	[tilespmem:v2+s31+$0x0] =	vst.idx.add.f32.msk $0xffff, v1  }
.Ltmp5:
0xa7: {  	_ = 	snop;
	(pc) =	sbr.rel .LBB2_6-.Ltmp5, $1  }
0xa8: {  	_ =	sdelay $0x3  }
.LBB2_5:
0xa9: {  	s25 =	sadd.s32 s1, s23  }
0xaa: {  	[tilespmem:s3], [sflag:$0x1] =	stream.linear.gather [hbm4b:s25+s3], $0x50, $0x38;
	[tilespmem:$0x19080] =	vst v63  }
0xab: {  	_ =	swait.ge [sflag:s29], $0x50  }
0xac: {  	[sflag:s29] =	ssyncset.done $0x0  }
0xad: {  	[sflag:s29] =	ssyncadd.s32 $0xFFFFFFB0  }
0xae: {  	[tilespmem:s28], [sflag:$0x1] =	stream.linear.gather [hbm4b:s24+s3], $0x2800, $0x38;
	[tilespmem:$0x19080] =	vst v63  }
0xaf: {  	_ =	swait.ge [sflag:s29], $0x2800  }
0xb0: {  	[sflag:s29] =	ssyncset.done $0x0  }
0xb1: {  	[sflag:s29] =	ssyncadd.s32 $0xFFFFD800  }
0xb2: {  	[spmem:s2] =	stream.indirect.scatter.add.f32 [tilespmem:s28], [sflag:$0x1], $0x80, s3, s30, $0xb8;
	[tilespmem:$0x19080] =	vst v63  }
0xb3: {  	_ =	swait.ge [sflag:s29], $0x2800  }
0xb4: {  	[sflag:s29] =	ssyncset.done $0x0  }
0xb5: {  	[sflag:s29] =	ssyncadd.s32 $0xFFFFD800  }
0xb6: {  	v2 =	vld [tilespmem:$0x0];
	_ =	sdelay $0x7  }
0xb7: {  	[tilespmem:v2+s31+$0x0] =	vst.idx.add.f32.msk $0xffff, v1  }
0xb8: {  	v2 =	vld [tilespmem:$0x10];
	_ =	sdelay $0x7  }
0xb9: {  	[tilespmem:v2+s31+$0x0] =	vst.idx.add.f32.msk $0xffff, v1  }
0xba: {  	v2 =	vld [tilespmem:$0x20];
	_ =	sdelay $0x7  }
0xbb: {  	[tilespmem:v2+s31+$0x0] =	vst.idx.add.f32.msk $0xffff, v1  }
0xbc: {  	v2 =	vld [tilespmem:$0x30];
	_ =	sdelay $0x7  }
0xbd: {  	[tilespmem:v2+s31+$0x0] =	vst.idx.add.f32.msk $0xffff, v1  }
0xbe: {  	v2 =	vld [tilespmem:$0x40];
	_ =	sdelay $0x2  }
0xbf: {  	p1 =	sne.s32 s1, $0x4CE  }
.Ltmp6:
0xc0: {  	_ = 	snop;
	(pc) =	sbr.rel @p1 .LBB2_5-.Ltmp6, $2  }
0xc1: {  	_ =	sdelay $0x2  }
0xc2: {  	s1 =	sadd.s32 $0xA, s1;
	s24 =	sadd.s32 $0x500, s24;
	[tilespmem:v2+s31+$0x0] =	vst.idx.add.f32.msk $0xffff, v1  }
.Ltmp7:
0xc3: {  	_ = 	snop;
	(pc) =	sbr.rel .LBB2_6-.Ltmp7, $1  }
0xc4: {  	_ =	sdelay $0x3  }
.LBB2_7:
0xc5: {  	_ =	sfence.sel $0x180000  }
0xc6: {  	[bflag:$0x0] =	sbarrier.arrive $0xFFFF  }
0xc7: {  	_ =	strace $0x9000004D  }
0xc8: {  	s0 =	stileid.u32;
	[bflag:$0x2] =	sbarrier.arrive $0xFFFF  }
0xc9: {  	p0 =	sne.s32 s0, $0x0;
	s0 =	rddreg [dreg:$0x3]  }
0xca: {  	s0 =	sadd.s32 @!p0 $0x100000, s0  }
0xcb: {  	[sflag:s0] =	ssyncadd.tile.s32 @!p0 $0x1;
	_ =	shalt  }
.Lfunc_end2:
_tile_overlayer_lowered:
.L_overlay_start_2:
0xcc: {  	(tag) =	ssettag $0x2  }
0xcd: {  	s0 =	rddreg [dreg:$0x0];
	s2 =	stileid.u32  }
0xce: {  	s1 =	rddreg [dreg:$0x1];
	p0 =	sne.s32 s2, $0x0  }
0xcf: {  	s3 =	rddreg [dreg:$0x2];
	[bflag:$0x3] =	sbarrier.arrive $0xFFFF;
	s2 =	simm.s32 @!p0 $0x1C01  }
0xd0: {  	[timem:s3], [sflag:s2] =	dma.local @!p0 [hbm:s0], s1  }
0xd1: {  	s0 =	simm.s32 @!p0 $0x1  }
0xd2: {  	_ =	swait.ge @!p0 [sflag:s0], s1  }
0xd3: {  	s1 =	ssub.s32 @!p0 $0x0, s1;
	[sflag:s0] =	ssyncset.done @!p0 $0x0  }
0xd4: {  	[sflag:s0] =	ssyncadd.s32 @!p0 s1  }
0xd5: {  	[bflag:$0x3] =	sbarrier.arrive $0xFFFF  }
0xd6: {  	_ =	shalt  }

// kernel: kernel.8.cloned.1.call-start
scs
__scs_entry_jumppad:
0x0: {  	(pc) =	sbr.rel $0x88, $3  }
0x1: {  	(tag) =	ssettag $0x0;
	lr =	simm.s32 $0x1  }
0x2: {  	[smem:$0x3F86] =	sst lr;
	_ =	strace $0xD0000000  }
0x3: {  	_ = 	snop  }
0x4: {  	_ = 	snop  }
0x5: {  	_ = 	snop  }
0x6: {  	_ = 	snop  }
0x7: {  	_ = 	snop  }
__scs_overlays_trampoline_lowered:
0x8: {  	[smem:$0x3F95] =	sst s0  }
0x9: {  	[smem:$0x3F96] =	sst s1  }
0xa: {  	[smem:$0x3F97] =	sst s2  }
0xb: {  	[smem:$0x3F98] =	sst s3  }
0xc: {  	[smem:$0x3F99] =	sst s4  }
0xd: {  	[smem:$0x3F9A] =	sst s5  }
0xe: {  	[smem:$0x3F9B] =	sst s6  }
0xf: {  	[smem:$0x3F9C] =	sst s7  }
0x10: {  	[smem:$0x3F9D] =	sst s8  }
0x11: {  	[smem:$0x3F9E] =	sst s9;
	s0 =	simm.s32 @!p0 $0x0  }
0x12: {  	s1 =	sld [smem:$0x3F84];
	s0 =	simm.s32 @p0 $0x1  }
0x13: {  	[smem:$0x3F9F] =	sst s0;
	s0 =	simm.s32 @!p1 $0x0  }
0x14: {  	s2 =	sld [smem:$0x3F83];
	s0 =	simm.s32 @p1 $0x1  }
0x15: {  	[smem:$0x3FA0] =	sst s0;
	s0 =	simm.s32 @!p2 $0x0  }
0x16: {  	s3 =	sld [smem:$0x3FDB];
	s0 =	simm.s32 @p2 $0x1  }
0x17: {  	s4 =	simm.s32 $0x1BF5;
	[smem:$0x3FA2] =	sst s0  }
0x18: {  	s0 =	sld [smem:$0x3F85];
	_ =	swait.ge [sflag:s4], $0x0  }
0x19: {  	s7 =	sld [smem:$0x3F86]  }
0x1a: {  	s8 =	sadd.s32 $0xFFFFE003, lr  }
0x1b: {  	s9 =	sadd.s32 $0xFFFFFEF7, lr;
	s5 =	simm.s32 $0xFFFFFFFF;
	p2 =	slt.u32 s8, $0xFFFFF086  }
0x1c: {  	p1 =	slt.u32 s9, $0xF7A;
	s5 =	simm.s32 @!p2 $0x0  }
0x1d: {  	s5 =	simm.s32 @p1 $0x1;
	p0 =	seq.s32 s7, s2  }
0x1e: {  	s7 =	smul.u32 @!p0 $0xF7A, s2;
	p2 =	seq.s32 @!p0 s5, $0x0  }
0x1f: {  	s9 =	smul.u32 $0xF7A, s1;
	s8 =	simm.s32 @!p0 $0x1BF5;
	p2 =	por !p2, p0  }
0x20: {  	[sflag:s8] =	ssyncset.s32 @!p0 $0xFFFFF086;
	s6 =	sadd.s32 @!p0 s3, s7;
	s7 =	simm.s32 @!p0 $0x108  }
0x21: {  	s3 =	sadd.s32 s3, s9;
	s6 =	sadd.s32 @!p0 $0x88, s6;
	s7 =	simm.s32 @p2 $0x1082  }
0x22: {  	[simem:s7], [sflag:s8] =	dma.local @!p0 [hbm:s6], $0xF7A  }
0x23: {  	s9 =	sor.u32 $0xD0000000, s2;
	s6 =	simm.s32 $0x108;
	_ =	swait.ge @!p0 [sflag:s8], $0x0  }
0x24: {  	s3 =	sadd.s32 $0x88, s3;
	s6 =	simm.s32 @!p1 $0x1082;
	[sflag:s4] =	ssyncset.s32 $0xFFFFF086  }
0x25: {  	[simem:s6], [sflag:s4] =	dma.local [hbm:s3], $0xF7A  }
0x26: {  	[smem:$0x3F86] =	sst s1;
	(tag) =	ssettag s2;
	_ =	strace s9  }
0x27: {  	s1 =	sld [smem:$0x3F96]  }
0x28: {  	s2 =	sld [smem:$0x3F97]  }
0x29: {  	s4 =	sld [smem:$0x3F99]  }
0x2a: {  	p0 =	seq.s32 s5, $0x0;
	s5 =	sld [smem:$0x3F9A]  }
0x2b: {  	s6 =	sld [smem:$0x3F9B]  }
0x2c: {  	s7 =	sld [smem:$0x3F9C]  }
0x2d: {  	s3 =	simm.s32 $0x108;
	s8 =	sld [smem:$0x3F9D]  }
0x2e: {  	s3 =	simm.s32 @!p0 $0x1082;
	s9 =	sld [smem:$0x3F9E]  }
0x2f: {  	lr =	sadd.s32 s0, s3;
	s0 =	sld [smem:$0x3F95]  }
0x30: {  	s3 =	sld [smem:$0x3F98]  }
0x31: {  	[smem:$0x3FA1] =	sst s10  }
0x32: {  	s10 =	sld [smem:$0x3F9F];
	_ =	sdelay $0x3  }
0x33: {  	p0 =	seq.s32 s10, $0x1;
	s10 =	sld [smem:$0x3FA1];
	_ =	sdelay $0x3  }
0x34: {  	[smem:$0x3FA1] =	sst s10  }
0x35: {  	s10 =	sld [smem:$0x3FA0];
	_ =	sdelay $0x3  }
0x36: {  	p1 =	seq.s32 s10, $0x1;
	s10 =	sld [smem:$0x3FA1];
	_ =	sdelay $0x3  }
0x37: {  	[smem:$0x3FA1] =	sst s10  }
0x38: {  	s10 =	sld [smem:$0x3FA2]  }
0x39: {  	_ = 	snop;
	(pc) =	sbr.ind lr, $3  }
0x3a: {  	_ = 	snop  }
0x3b: {  	_ = 	snop  }
0x3c: {  	p2 =	seq.s32 s10, $0x1;
	s10 =	sld [smem:$0x3FA1]  }
0x3d: {  	_ =	shalt  }
0x3e: {  	_ =	shalt  }
0x3f: {  	_ =	shalt  }
0x40: {  	_ =	shalt  }
0x41: {  	_ =	shalt  }
0x42: {  	_ =	shalt  }
0x43: {  	_ =	shalt  }
0x44: {  	_ =	shalt  }
0x45: {  	_ =	shalt  }
0x46: {  	_ =	shalt  }
0x47: {  	_ =	shalt  }
0x48: {  	_ =	shalt  }
0x49: {  	_ =	shalt  }
0x4a: {  	_ =	shalt  }
0x4b: {  	_ =	shalt  }
0x4c: {  	_ =	shalt  }
0x4d: {  	_ =	shalt  }
0x4e: {  	_ =	shalt  }
0x4f: {  	_ =	shalt  }
0x50: {  	_ =	shalt  }
0x51: {  	_ =	shalt  }
0x52: {  	_ =	shalt  }
0x53: {  	_ =	shalt  }
0x54: {  	_ =	shalt  }
0x55: {  	_ =	shalt  }
0x56: {  	_ =	shalt  }
0x57: {  	_ =	shalt  }
0x58: {  	_ =	shalt  }
0x59: {  	_ =	shalt  }
0x5a: {  	_ =	shalt  }
0x5b: {  	_ =	shalt  }
0x5c: {  	_ =	shalt  }
0x5d: {  	_ =	shalt  }
0x5e: {  	_ =	shalt  }
0x5f: {  	_ =	shalt  }
0x60: {  	_ =	shalt  }
0x61: {  	_ =	shalt  }
0x62: {  	_ =	shalt  }
0x63: {  	_ =	shalt  }
0x64: {  	_ =	shalt  }
0x65: {  	_ =	shalt  }
0x66: {  	_ =	shalt  }
0x67: {  	_ =	shalt  }
0x68: {  	_ =	shalt  }
0x69: {  	_ =	shalt  }
0x6a: {  	_ =	shalt  }
0x6b: {  	_ =	shalt  }
0x6c: {  	_ =	shalt  }
0x6d: {  	_ =	shalt  }
0x6e: {  	_ =	shalt  }
0x6f: {  	_ =	shalt  }
0x70: {  	_ =	shalt  }
0x71: {  	_ =	shalt  }
0x72: {  	_ =	shalt  }
0x73: {  	_ =	shalt  }
0x74: {  	_ =	shalt  }
0x75: {  	_ =	shalt  }
0x76: {  	_ =	shalt  }
0x77: {  	_ =	shalt  }
0x78: {  	_ =	shalt  }
0x79: {  	_ =	shalt  }
0x7a: {  	_ =	shalt  }
0x7b: {  	_ =	shalt  }
0x7c: {  	_ =	shalt  }
0x7d: {  	_ =	shalt  }
0x7e: {  	_ =	shalt  }
0x7f: {  	_ =	shalt  }
0x80: {  	_ =	shalt  }
0x81: {  	_ =	shalt  }
0x82: {  	_ =	shalt  }
0x83: {  	_ =	shalt  }
0x84: {  	_ =	shalt  }
0x85: {  	_ =	shalt  }
0x86: {  	_ =	shalt  }
0x87: {  	_ =	shalt  }
.Lfunc_end0:
.L_simem_size_0:
called_computation_lowered:
.L_overlay_start_0:
0x88: {  	s2 =	sld [smem:$0x3FD9]  }
0x89: {  	s3 =	sld [smem:$0x3FFE];
	_ =	sdelay $0x1  }
0x8a: {  	s1 =	srdreg.scid  }
0x8b: {  	s0 =	sand.u32 $0x1, s1  }
0x8c: {  	s17 =	sshll.u32 s0, $0xA;
	s2 =	sadd.s32 s3, s2  }
0x8d: {  	s2 =	sadd.s32 s2, s17  }
0x8e: {  	[smem:$0x3FAD] =	sst s2  }
0x8f: {  	_ = 	snop  }
0x90: {  	s2 =	sld [smem:$0x3FC9];
	(tm) =	ssettm $0x1  }
0x91: {  	s18 =	sld [smem:$0x3FFB];
	_ =	sdelay $0x3  }
0x92: {  	_ =	strace s18  }
0x93: {  	s3 =	sld [smem:$0x3FFC];
	_ =	sdelay $0x3  }
0x94: {  	_ =	strace s3  }
0x95: {  	s3 =	sld [smem:$0x3FFD];
	_ =	sdelay $0x3  }
0x96: {  	_ =	strace s3  }
0x97: {  	_ =	strace $0x8FFFFFFF  }
0x98: {  	s19 =	sld [smem:$0x3FDB];
	_ =	sdelay $0x1  }
0x99: {  	s4 =	simm.s32 $_scs_section_size  }
0x9a: {  	s5 =	simm.s32 $_size__tile_overlayer_lowered;
	s6 =	simm.s32 $_tile_overlayer_lowered  }
0x9b: {  	s22 =	simm.s32 $0x1BFF;
	s21 =	sshll.u32 s6, $0x1;
	s3 =	sadd.s32 s4, s19  }
0x9c: {  	s7 =	simm.s32 $0x0;
	s20 =	sshll.u32 s5, $0x1;
	s5 =	sadd.s32 s21, s3  }
0x9d: {  	[timem:s7], [sflag:s22] =	dma.local [hbm:s5], s20  }
0x9e: {  	_ =	swait.ge [sflag:s22], s20  }
0x9f: {  	s4 =	ssub.s32 $0x0, s20;
	[sflag:s22] =	ssyncset.done $0x0  }
0xa0: {  	[sflag:s22] =	ssyncadd.s32 s4;
	_ =	sdelay $0x1  }
0xa1: {  	s23 =	simm.s32 $0x1B8B  }
0xa2: {  	_ =	swait.ge [sflag:s23], $0x1  }
0xa3: {  	[sflag:s23] =	ssyncset.done $0x0  }
0xa4: {  	s25 =	simm.s32 $0x1B8E;
	s24 =	sld [smem:$0x3FFE];
	[sflag:s23] =	ssyncadd.s32 $0xFFFFFFFF  }
0xa5: {  	s26 =	simm.s32 $execute0_lowered;
	[smem:$0x3FD2] =	sst s25  }
0xa6: {  	s5 =	sshll.u32 s26, $0x1;
	_ =	strace $0x80000046;
	[dreg:$0x1] =	wrdreg $0xFFFFFFFF  }
0xa7: {  	s28 =	simm.s32 $_size_execute0_lowered;
	s3 =	sadd.s32 s3, s5;
	[dreg:$0x0] =	wrdreg $0x0  }
0xa8: {  	s5 =	sshll.u32 s28, $0x1;
	[dreg:$0x2] =	wrdreg s3  }
0xa9: {  	[dreg:$0x3] =	wrdreg s5  }
0xaa: {  	[dreg:$0x4] =	wrdreg $0xC0  }
0xab: {  	_ =	task [dreg:s7], $0x5FFFF  }
0xac: {  	[dreg:$0x1] =	wrdreg $0xFFFFFFFF  }
0xad: {  	[dreg:$0x0] =	wrdreg $0x60  }
0xae: {  	[dreg:$0x2] =	wrdreg s2  }
0xaf: {  	[dreg:$0x3] =	wrdreg s24  }
0xb0: {  	[dreg:$0x4] =	wrdreg $0x9  }
0xb1: {  	_ =	task.clear_ibuf [dreg:s7], $0x5FFFF;
	_ =	strace $0x90000046  }
0xb2: {  	s29 =	simm.s32 $0x9;
	_ =	strace $0x80000048  }
0xb3: {  	_ =	swait.ge [sflag:s29], $0x1  }
0xb4: {  	[sflag:s29] =	ssyncadd.s32 $0xFFFFFFFF  }
0xb5: {  	_ =	strace $0x90000048  }
0xb6: {  	_ =	sfence  }
0xb7: {  	s30 =	sld [smem:$0x0];
	_ =	sdelay $0x2  }
0xb8: {  	s31 =	sshll.u32 s1, $0xD;
	s1 =	sshrl.u32 s1, $0x2  }
0xb9: {  	s3 =	sand.u32 $0x4000, s31;
	s1 =	sadd.s32 s1, s30  }
0xba: {  	s0 =	sor.u32 s3, s0;
	s1 =	sshll.u32 s1, $0x11  }
0xbb: {  	s0 =	sor.u32 s1, s0  }
0xbc: {  	s0 =	sadd.s32 $0x8F2B, s0  }
0xbd: {  	[sflag:s0] =	ssyncadd.remote.s32 $0x1  }
0xbe: {  	_ =	sfence.sel $0xFFFF  }
0xbf: {  	[dreg:$0x0] =	wrdreg $0xFFFFFFFF;
	(pc) =	sbr.abs _section_cstart, $3  }
0xc0: {  	[dreg:$0x1] =	wrdreg $0xFFFFFFFF  }
0xc1: {  	_ =	task.clear_ibuf [dreg:s7], $0x2FFFF;
	_ =	strace $0x9FFFFFFF  }
0xc2: {  	(tm) =	ssettm $0x7FFFFFFF  }
0xc3: {  	_ =	shalt  }
tec
execute0_lowered:
.L_overlay_start_1:
0x0: {  	(tag) =	ssettag $0x1  }
0x1: {  	s2 =	rddreg [dreg:$0x0]  }
0x2: {  	s4 =	rddreg [dreg:$0x1]  }
0x3: {  	s0 =	rddreg [dreg:$0x2];
	s5 =	srdreg.scid  }
0x4: {  	s1 =	stileid.u32;
	s3 =	simm.s32 $0x0;
	s10 =	simm.s32 $0x80  }
0x5: {  	s11 =	simm.s32 $0x50;
	s12 =	simm.s32 $0x100;
	s13 =	simm.s32 $0x2900  }
0x6: {  	s14 =	simm.s32 $0x1;
	s15 =	simm.s32 $0x2;
	s6 =	smul.u32 $0x2760, s1  }
0x7: {  	s16 =	simm.s32 $0x0;
	s5 =	sand.u32 $0x1, s5;
	s8 =	smul.u32 $0x27600, s1  }
0x8: {  	[smem:$0x7FF] =	sst s3;
	s7 =	smul.u32 $0x13B0, s5;
	s9 =	ssub.s32 $0x2, s5  }
0x9: {  	_ =	strace $0x80000047;
	s5 =	smul.u32 $0x13B00, s5;
	s29 =	sshrl.u32 s9, $0x1  }
0xa: {  	s8 =	sadd.s32 s8, s4;
	s6 =	sadd.s32 s7, s6;
	s7 =	ssub.s32 s9, s29  }
0xb: {  	s31 =	sadd.s32 s5, s8;
	s9 =	simm.s32 $0x3;
	s6 =	sshrl.u32 s6, $0x3  }
0xc: {  	s5 =	sadd.s32 $0xF800, s31;
	s30 =	sadd.s32 s6, s4;
	s4 =	smax.u32 s7, $0x1  }
0xd: {  	s6 =	sadd.s32 $0x285800, s31;
	s7 =	sadd.s32 $0x5800, s30;
	s8 =	sadd.s32 $0xA800, s30  }
.LBB2_1:
0xe: {  	s17 =	sadd.s32 $0x0, s8  }
0xf: {  	[tilespmem:s3], [sflag:$0x3] =	stream.linear.gather [hbm4b:s17+s3], $0x50, $0x38;
	[tilespmem:$0x5100] =	vst v63  }
0x10: {  	_ =	swait.ge [sflag:s9], $0x50  }
0x11: {  	[sflag:s9] =	ssyncset.done $0x0  }
0x12: {  	s31 =	sadd.s32 $0x0, s7;
	[sflag:s9] =	ssyncadd.s32 $0xFFFFFFB0  }
0x13: {  	[tilespmem:s10], [sflag:$0x3] =	stream.linear.gather [hbm4b:s31+s3], $0x50, $0x38;
	[tilespmem:$0x5100] =	vst v63  }
0x14: {  	_ =	swait.ge [sflag:s9], $0x50  }
0x15: {  	[sflag:s9] =	ssyncset.done $0x0  }
0x16: {  	[sflag:s9] =	ssyncadd.s32 $0xFFFFFFB0  }
0x17: {  	[tilespmem:s12], [sflag:$0x1] =	stream.indirect.gather [hbm4b:s2+s11], $0x80, s3, s11, $0xb8;
	[tilespmem:$0x5100] =	vst v63  }
0x18: {  	_ = 	snop  }
0x19: {  	[tilespmem:s13], [sflag:$0x2] =	stream.indirect.gather [hbm4b:s2+s11], $0x80, s10, s11, $0xb8;
	[tilespmem:$0x5100] =	vst v63  }
0x1a: {  	_ =	swait.ge [sflag:s14], $0x2800  }
0x1b: {  	[sflag:s14] =	ssyncset.done $0x0  }
0x1c: {  	[sflag:s14] =	ssyncadd.s32 $0xFFFFD800  }
0x1d: {  	_ =	swait.ge [sflag:s15], $0x2800  }
0x1e: {  	[sflag:s15] =	ssyncset.done $0x0  }
0x1f: {  	[sflag:s15] =	ssyncadd.s32 $0xFFFFD800  }
0x20: {  	[hbm4b:s5+s3] =	stream.linear.scatter [tilespmem:s12], [sflag:$0x3], $0x2800, $0x38;
	[tilespmem:$0x5100] =	vst v63  }
0x21: {  	_ =	swait.ge [sflag:s9], $0x2800  }
0x22: {  	[sflag:s9] =	ssyncset.done $0x0  }
0x23: {  	[sflag:s9] =	ssyncadd.s32 $0xFFFFD800  }
0x24: {  	[hbm4b:s6+s3] =	stream.linear.scatter [tilespmem:s13], [sflag:$0x3], $0x2800, $0x38;
	[tilespmem:$0x5100] =	vst v63  }
0x25: {  	s19 =	simm.s32 $0xA;
	s20 =	simm.s32 $0x14;
	_ =	swait.ge [sflag:s9], $0x2800  }
0x26: {  	s18 =	sadd.s32 $0x500, s5;
	s17 =	sadd.s32 $0x500, s6;
	[sflag:s9] =	ssyncset.done $0x0  }
.LBB2_2:
0x27: {  	s21 =	sadd.s32 s19, s8  }
0x28: {  	[sflag:s9] =	ssyncadd.s32 $0xFFFFD800;
	s22 =	smov.u32 s20;
	s23 =	sadd.s32 $0xA, s20  }
0x29: {  	[tilespmem:s3], [sflag:$0x3] =	stream.linear.gather [hbm4b:s21+s3], $0x50, $0x38;
	[tilespmem:$0x5100] =	vst v63  }
0x2a: {  	p0 =	sne.s32 s20, $0x26C;
	_ =	swait.ge [sflag:s9], $0x50  }
0x2b: {  	[sflag:s9] =	ssyncset.done $0x0  }
0x2c: {  	s20 =	sadd.s32 s19, s7;
	s19 =	smov.u32 s22;
	[sflag:s9] =	ssyncadd.s32 $0xFFFFFFB0  }
0x2d: {  	[tilespmem:s10], [sflag:$0x3] =	stream.linear.gather [hbm4b:s20+s3], $0x50, $0x38;
	[tilespmem:$0x5100] =	vst v63  }
0x2e: {  	_ =	swait.ge [sflag:s9], $0x50  }
0x2f: {  	[sflag:s9] =	ssyncset.done $0x0  }
0x30: {  	[sflag:s9] =	ssyncadd.s32 $0xFFFFFFB0  }
0x31: {  	[tilespmem:s12], [sflag:$0x1] =	stream.indirect.gather [hbm4b:s2+s11], $0x80, s3, s11, $0xb8;
	[tilespmem:$0x5100] =	vst v63  }
0x32: {  	_ = 	snop  }
0x33: {  	[tilespmem:s13], [sflag:$0x2] =	stream.indirect.gather [hbm4b:s2+s11], $0x80, s10, s11, $0xb8;
	[tilespmem:$0x5100] =	vst v63  }
0x34: {  	_ =	swait.ge [sflag:s14], $0x2800  }
0x35: {  	[sflag:s14] =	ssyncset.done $0x0  }
0x36: {  	[sflag:s14] =	ssyncadd.s32 $0xFFFFD800  }
0x37: {  	_ =	swait.ge [sflag:s15], $0x2800  }
0x38: {  	[sflag:s15] =	ssyncset.done $0x0  }
0x39: {  	[sflag:s15] =	ssyncadd.s32 $0xFFFFD800  }
0x3a: {  	[hbm4b:s18+s3] =	stream.linear.scatter [tilespmem:s12], [sflag:$0x3], $0x2800, $0x38;
	[tilespmem:$0x5100] =	vst v63  }
0x3b: {  	_ =	swait.ge [sflag:s9], $0x2800  }
.Ltmp0:
0x3c: {  	[sflag:s9] =	ssyncset.done $0x0;
	(pc) =	sbr.rel @p0 .LBB2_2-.Ltmp0, $4  }
0x3d: {  	[sflag:s9] =	ssyncadd.s32 $0xFFFFD800  }
0x3e: {  	[hbm4b:s17+s3] =	stream.linear.scatter [tilespmem:s13], [sflag:$0x3], $0x2800, $0x38;
	[tilespmem:$0x5100] =	vst v63  }
0x3f: {  	s20 =	smov.u32 s23;
	_ =	swait.ge [sflag:s9], $0x2800  }
0x40: {  	s18 =	sadd.s32 $0x500, s18;
	s17 =	sadd.s32 $0x500, s17;
	[sflag:s9] =	ssyncset.done $0x0  }
0x41: {  	s20 =	sadd.s32 s19, s8;
	[sflag:s9] =	ssyncadd.s32 $0xFFFFD800  }
0x42: {  	[tilespmem:s3], [sflag:$0x3] =	stream.linear.gather [hbm4b:s20+s3], $0x50, $0x38;
	[tilespmem:$0x5100] =	vst v63  }
0x43: {  	_ =	swait.ge [sflag:s9], $0x50  }
0x44: {  	[sflag:s9] =	ssyncset.done $0x0  }
0x45: {  	s31 =	sadd.s32 s19, s7;
	[sflag:s9] =	ssyncadd.s32 $0xFFFFFFB0  }
0x46: {  	[tilespmem:s10], [sflag:$0x3] =	stream.linear.gather [hbm4b:s31+s3], $0x50, $0x38;
	[tilespmem:$0x5100] =	vst v63  }
0x47: {  	_ =	swait.ge [sflag:s9], $0x50  }
0x48: {  	[sflag:s9] =	ssyncset.done $0x0  }
0x49: {  	[sflag:s9] =	ssyncadd.s32 $0xFFFFFFB0  }
0x4a: {  	[tilespmem:s12], [sflag:$0x1] =	stream.indirect.gather [hbm4b:s2+s11], $0x80, s3, s11, $0xb8;
	[tilespmem:$0x5100] =	vst v63  }
0x4b: {  	_ = 	snop  }
0x4c: {  	[tilespmem:s13], [sflag:$0x2] =	stream.indirect.gather [hbm4b:s2+s11], $0x80, s10, s11, $0xb8;
	[tilespmem:$0x5100] =	vst v63  }
0x4d: {  	_ =	swait.ge [sflag:s14], $0x2800  }
0x4e: {  	[sflag:s14] =	ssyncset.done $0x0  }
0x4f: {  	[sflag:s14] =	ssyncadd.s32 $0xFFFFD800  }
0x50: {  	_ =	swait.ge [sflag:s15], $0x2800  }
0x51: {  	[sflag:s15] =	ssyncset.done $0x0  }
0x52: {  	[sflag:s15] =	ssyncadd.s32 $0xFFFFD800  }
0x53: {  	[hbm4b:s18+s3] =	stream.linear.scatter [tilespmem:s12], [sflag:$0x3], $0x2800, $0x38;
	[tilespmem:$0x5100] =	vst v63  }
0x54: {  	s16 =	sadd.s32 $0x1, s16;
	_ =	swait.ge [sflag:s9], $0x2800  }
0x55: {  	p0 =	sne.s32 s16, s4;
	[sflag:s9] =	ssyncset.done $0x0  }
.Ltmp1:
0x56: {  	[sflag:s9] =	ssyncadd.s32 $0xFFFFD800;
	(pc) =	sbr.rel @p0 .LBB2_1-.Ltmp1, $4  }
0x57: {  	[hbm4b:s17+s3] =	stream.linear.scatter [tilespmem:s13], [sflag:$0x3], $0x2800, $0x38;
	[tilespmem:$0x5100] =	vst v63  }
0x58: {  	_ =	swait.ge [sflag:s9], $0x2800  }
0x59: {  	[sflag:s9] =	ssyncset.done $0x0  }
0x5a: {  	[sflag:s9] =	ssyncadd.s32 $0xFFFFD800  }
0x5b: {  	_ =	sfence.sel $0x180000  }
0x5c: {  	[bflag:$0x0] =	sbarrier.arrive $0xFFFF  }
0x5d: {  	p0 =	sne.s32 s1, $0x0;
	_ =	strace $0x90000047  }
0x5e: {  	s0 =	sadd.s32 @!p0 $0x100000, s0;
	[bflag:$0x2] =	sbarrier.arrive $0xFFFF  }
0x5f: {  	[sflag:s0] =	ssyncadd.tile.s32 @!p0 $0x1;
	_ =	shalt  }
.Lfunc_end2:
_tile_overlayer_lowered:
.L_overlay_start_2:
0x60: {  	(tag) =	ssettag $0x2  }
0x61: {  	s0 =	rddreg [dreg:$0x0];
	s2 =	stileid.u32  }
0x62: {  	s1 =	rddreg [dreg:$0x1];
	p0 =	sne.s32 s2, $0x0  }
0x63: {  	s3 =	rddreg [dreg:$0x2];
	[bflag:$0x3] =	sbarrier.arrive $0xFFFF;
	s2 =	simm.s32 @!p0 $0x1C03  }
0x64: {  	[timem:s3], [sflag:s2] =	dma.local @!p0 [hbm:s0], s1  }
0x65: {  	s0 =	simm.s32 @!p0 $0x3  }
0x66: {  	_ =	swait.ge @!p0 [sflag:s0], s1  }
0x67: {  	s1 =	ssub.s32 @!p0 $0x0, s1;
	[sflag:s0] =	ssyncset.done @!p0 $0x0  }
0x68: {  	[sflag:s0] =	ssyncadd.s32 @!p0 s1  }
0x69: {  	[bflag:$0x3] =	sbarrier.arrive $0xFFFF  }
0x6a: {  	_ =	shalt  }

</sc_bundles>
